<compile_context>
chip_gen: v7x
topology: tpu7x:2x2x1
jax: 0.10.2.dev20260603
libtpu: 0.0.44.dev20260713+nightly
codegen_flags: <defaults>
</compile_context>

<pallas_src>
import functools

import jax
import jax.numpy as jnp
from jax import lax
from jax.experimental import pallas as pl
from jax.experimental.pallas import tpu as pltpu
from jax.experimental.pallas import tpu_sc as plsc

_HIDDEN = 128
_IW = 128
_HALF = 2
_CHUNK = _IW * _HALF
_NBUF = 3
_NC, _NS = 2, 16
_NW = _NC * _NS


def _run(idx2d, table):
    n_iw = idx2d.shape[0]
    n_chunks = n_iw // _HALF
    steps = n_chunks // _NW
    outer = (steps + _NBUF - 1) // _NBUF

    mesh = plsc.VectorSubcoreMesh(core_axis_name="c", subcore_axis_name="s")

    @functools.partial(
        pl.kernel,
        mesh=mesh,
        out_type=jax.ShapeDtypeStruct((n_chunks, _HALF, _IW, _HIDDEN),
                                      jnp.float32),
        scratch_types=(
            [pltpu.VMEM((steps * _HALF, _IW), jnp.int32),
             pltpu.VMEM((_NBUF, _HALF, _IW, _HIDDEN), jnp.float32)]
            + [pltpu.SemaphoreType.DMA] * (2 * _NBUF)
        ),
    )
    def k(idx_hbm, table_hbm, out_hbm, idx_v, rows_v, *sems):
        gsem = sems[:_NBUF]
        osem = sems[_NBUF:]
        wid = lax.axis_index("s") * _NC + lax.axis_index("c")
        chunk0 = wid * steps

        pltpu.sync_copy(idx_hbm.at[pl.ds(chunk0 * _HALF, steps * _HALF)],
                        idx_v)

        def gather_start(g, b):
            for h in range(_HALF):
                pltpu.async_copy(table_hbm.at[idx_v.at[g * _HALF + h]],
                                 rows_v.at[b, h], gsem[b])

        def gather_wait(b):
            pltpu.make_async_copy(
                out_hbm.at[chunk0], rows_v.at[b], gsem[b]).wait()

        def out_start(g, b):
            pltpu.async_copy(rows_v.at[b], out_hbm.at[chunk0 + g], osem[b])

        def out_wait(b):
            pltpu.make_async_copy(
                rows_v.at[b], out_hbm.at[chunk0], osem[b]).wait()

        for b in range(_NBUF):
            gather_start(b, b)

        def body(o, carry):
            for b in range(_NBUF):
                g = o * _NBUF + b

                @pl.when(g < steps)
                def _():
                    gather_wait(b)
                    out_start(g, b)

                nxt = g + _NBUF

                @pl.when(nxt < steps)
                def _():
                    out_wait(b)
                    gather_start(nxt, b)
            return carry

        lax.fori_loop(0, outer, body, 0)
        for b in range(_NBUF):
            out_wait(b)

    return k(idx2d, table)


def kernel(input_ids, word_embeddings):
    b, l = input_ids.shape
    n = b * l
    idx2d = input_ids.astype(jnp.int32).reshape(n // _IW, _IW)
    out = _run(idx2d, word_embeddings)
    return out.reshape(b, l, _HIDDEN)

# --- scband reference (transcript-rebuilt; emitter-appended) ---
"""Pipeline reference for scband-ribonanza-net-embeddings-17325898072623 (READ-ONLY COPY).

The authoritative reference and input builder live on the scoring server;
editing this copy changes nothing except your own understanding.
"""

import jax, jax.numpy as jnp
import numpy as np

VOCAB = 100000
HIDDEN = 128
PAD_ID = 0
B, L = 4096, 200


def setup_inputs(seed: int = 0) -> dict:
    key = jax.random.key(seed)
    k_ids, k_tab = jax.random.split(key)
    input_ids = jax.random.randint(k_ids, (B, L), 0, VOCAB, dtype=jnp.int64 if jax.config.jax_enable_x64 else jnp.int32)
    word_embeddings = jax.random.normal(k_tab, (VOCAB, HIDDEN), dtype=jnp.float32)
    # padding_idx row initialized to zeros (nn.Embedding with padding_idx)
    word_embeddings = word_embeddings.at[PAD_ID].set(0.0)
    return {"input_ids": input_ids, "word_embeddings": word_embeddings}


def reference(input_ids, word_embeddings):
    # RibonanzaNetEmbeddings.forward with inputs_embeds=None:
    # inputs_embeds = self.word_embeddings(input_ids)
    inputs_embeds = jnp.take(word_embeddings, input_ids, axis=0)
    return inputs_embeds

if __name__ == "__main__":
    import jax
    _d = setup_inputs()
    print(jax.jit(kernel)(*tuple(_d.values())))

</pallas_src>

<mosaic_0001>
#map = affine_map<(d0, d1) -> (0, 0)>
#map1 = affine_map<(d0, d1) -> (0, 0, 0, 0)>
module attributes {stable_mosaic.version = 14 : i64} {
  func.func @k(%arg0: i32, %arg1: i32, %arg2: memref<6400x128xi32, #tpu.memory_space<hbm>>, %arg3: memref<100000x128xf32, #tpu.memory_space<hbm>>, %arg4: memref<3200x2x128x128xf32, #tpu.memory_space<hbm>>, %arg5: memref<200x128xi32, #tpu.memory_space<vmem>>, %arg6: memref<3x2x128x128xf32, #tpu.memory_space<vmem>>, %arg7: memref<!tpu.dma_semaphore, #tpu.memory_space<semaphore_mem>>, %arg8: memref<!tpu.dma_semaphore, #tpu.memory_space<semaphore_mem>>, %arg9: memref<!tpu.dma_semaphore, #tpu.memory_space<semaphore_mem>>, %arg10: memref<!tpu.dma_semaphore, #tpu.memory_space<semaphore_mem>>, %arg11: memref<!tpu.dma_semaphore, #tpu.memory_space<semaphore_mem>>, %arg12: memref<!tpu.dma_semaphore, #tpu.memory_space<semaphore_mem>>) attributes {dimension_semantics = [#tpu.dimension_semantics<core_parallel>, #tpu.dimension_semantics<subcore_parallel>], iteration_bounds = array<i64: 2, 16>, scalar_prefetch = 0 : i64, scratch_operands = 8 : i64, tpu.core_type = #tpu.core_type<sc_vector_subcore>, window_params = [{transform_indices = #map}, {transform_indices = #map}, {transform_indices = #map1}]} {
    %mul3A = arith.constant 2 : i32
    %mul3A_0 = arith.muli %arg1, %mul3A : i32
    %add3A = arith.addi %mul3A_0, %arg0 : i32
    %mul3A_1 = arith.constant 100 : i32
    %mul3A_2 = arith.muli %add3A, %mul3A_1 : i32
    %mul3A_3 = arith.constant 2 : i32
    %mul3A_4 = arith.muli %mul3A_2, %mul3A_3 : i32
    "tpu.region"() ({
      %run_scoped3A = tpu.sem_alloc : memref<!tpu.dma_semaphore, #tpu.memory_space<semaphore_mem>>
      %dma_start3A_149 = arith.constant 0 : i32
      %dma_start3A_150 = tpu.memref_slice %arg2[%mul3A_4, %dma_start3A_149] : memref<6400x128xi32, #tpu.memory_space<hbm>> -> memref<200x128xi32, #tpu.memory_space<hbm>>
      %dma_start3A_151 = arith.constant 0 : i32
      %dma_start3A_152 = tpu.memref_slice %arg2[%mul3A_4, %dma_start3A_151] : memref<6400x128xi32, #tpu.memory_space<hbm>> -> memref<200x128xi32, #tpu.memory_space<hbm>>
      tpu.enqueue_dma source(%dma_start3A_152 : memref<200x128xi32, #tpu.memory_space<hbm>>) target(%arg5 : memref<200x128xi32, #tpu.memory_space<vmem>>) target_semaphore(%run_scoped3A : memref<!tpu.dma_semaphore, #tpu.memory_space<semaphore_mem>>)
      %dma_wait3A_153 = arith.constant 0 : i32
      %dma_wait3A_154 = tpu.memref_slice %arg2[%mul3A_4, %dma_wait3A_153] : memref<6400x128xi32, #tpu.memory_space<hbm>> -> memref<200x128xi32, #tpu.memory_space<hbm>>
      %dma_wait3A_155 = arith.constant 0 : i32
      %dma_wait3A_156 = tpu.memref_slice %arg2[%mul3A_4, %dma_wait3A_155] : memref<6400x128xi32, #tpu.memory_space<hbm>> -> memref<200x128xi32, #tpu.memory_space<hbm>>
      tpu.wait_dma2 semaphore(%run_scoped3A : memref<!tpu.dma_semaphore, #tpu.memory_space<semaphore_mem>>) src(%dma_wait3A_156 : memref<200x128xi32, #tpu.memory_space<hbm>>) dst(%arg5 : memref<200x128xi32, #tpu.memory_space<vmem>>)
      tpu.yield
    }) : () -> ()
    %dma_start3A = arith.constant 0 : i32
    %dma_start3A_5 = arith.constant 0 : i32
    %dma_start3A_6 = arith.constant 0 : i32
    %dma_start3A_7 = arith.constant 0 : i32
    %dma_start3A_8 = arith.constant 0 : i32
    %dma_start3A_9 = tpu.memref_slice %arg6[%dma_start3A_5, %dma_start3A_6, %dma_start3A_7, %dma_start3A_8] : memref<3x2x128x128xf32, #tpu.memory_space<vmem>> -> memref<1x1x128x128xf32, #tpu.memory_space<vmem>>
    %dma_start3A_10 = tpu.memref_squeeze %dma_start3A_9 : memref<1x1x128x128xf32, #tpu.memory_space<vmem>> -> memref<128x128xf32, #tpu.memory_space<vmem>>
    %dma_start3A_11 = arith.constant 0 : i32
    %dma_start3A_12 = tpu.memref_slice %arg5[%dma_start3A, %dma_start3A_11] : memref<200x128xi32, #tpu.memory_space<vmem>> -> memref<1x128xi32, #tpu.memory_space<vmem>>
    %dma_start3A_13 = tpu.memref_squeeze %dma_start3A_12 : memref<1x128xi32, #tpu.memory_space<vmem>> -> memref<128xi32, #tpu.memory_space<vmem>>
    %dma_start3A_14 = arith.constant 0 : i32
    %dma_start3A_15 = arith.constant 0 : i32
    %dma_start3A_16 = tpu.memref_slice %arg3[%dma_start3A_14, %dma_start3A_15] : memref<100000x128xf32, #tpu.memory_space<hbm>> -> memref<100000x128xf32, #tpu.memory_space<hbm>>
    tpu.enqueue_indirect_dma source(%dma_start3A_16 : memref<100000x128xf32, #tpu.memory_space<hbm>>) target(%dma_start3A_10 : memref<128x128xf32, #tpu.memory_space<vmem>>) offsets(%dma_start3A_13 : memref<128xi32, #tpu.memory_space<vmem>>) semaphore(%arg7 : memref<!tpu.dma_semaphore, #tpu.memory_space<semaphore_mem>>)
    %dma_start3A_17 = arith.constant 1 : i32
    %dma_start3A_18 = arith.constant 0 : i32
    %dma_start3A_19 = arith.constant 1 : i32
    %dma_start3A_20 = arith.constant 0 : i32
    %dma_start3A_21 = arith.constant 0 : i32
    %dma_start3A_22 = tpu.memref_slice %arg6[%dma_start3A_18, %dma_start3A_19, %dma_start3A_20, %dma_start3A_21] : memref<3x2x128x128xf32, #tpu.memory_space<vmem>> -> memref<1x1x128x128xf32, #tpu.memory_space<vmem>>
    %dma_start3A_23 = tpu.memref_squeeze %dma_start3A_22 : memref<1x1x128x128xf32, #tpu.memory_space<vmem>> -> memref<128x128xf32, #tpu.memory_space<vmem>>
    %dma_start3A_24 = arith.constant 0 : i32
    %dma_start3A_25 = tpu.memref_slice %arg5[%dma_start3A_17, %dma_start3A_24] : memref<200x128xi32, #tpu.memory_space<vmem>> -> memref<1x128xi32, #tpu.memory_space<vmem>>
    %dma_start3A_26 = tpu.memref_squeeze %dma_start3A_25 : memref<1x128xi32, #tpu.memory_space<vmem>> -> memref<128xi32, #tpu.memory_space<vmem>>
    %dma_start3A_27 = arith.constant 0 : i32
    %dma_start3A_28 = arith.constant 0 : i32
    %dma_start3A_29 = tpu.memref_slice %arg3[%dma_start3A_27, %dma_start3A_28] : memref<100000x128xf32, #tpu.memory_space<hbm>> -> memref<100000x128xf32, #tpu.memory_space<hbm>>
    tpu.enqueue_indirect_dma source(%dma_start3A_29 : memref<100000x128xf32, #tpu.memory_space<hbm>>) target(%dma_start3A_23 : memref<128x128xf32, #tpu.memory_space<vmem>>) offsets(%dma_start3A_26 : memref<128xi32, #tpu.memory_space<vmem>>) semaphore(%arg7 : memref<!tpu.dma_semaphore, #tpu.memory_space<semaphore_mem>>)
    %dma_start3A_30 = arith.constant 2 : i32
    %dma_start3A_31 = arith.constant 1 : i32
    %dma_start3A_32 = arith.constant 0 : i32
    %dma_start3A_33 = arith.constant 0 : i32
    %dma_start3A_34 = arith.constant 0 : i32
    %dma_start3A_35 = tpu.memref_slice %arg6[%dma_start3A_31, %dma_start3A_32, %dma_start3A_33, %dma_start3A_34] : memref<3x2x128x128xf32, #tpu.memory_space<vmem>> -> memref<1x1x128x128xf32, #tpu.memory_space<vmem>>
    %dma_start3A_36 = tpu.memref_squeeze %dma_start3A_35 : memref<1x1x128x128xf32, #tpu.memory_space<vmem>> -> memref<128x128xf32, #tpu.memory_space<vmem>>
    %dma_start3A_37 = arith.constant 0 : i32
    %dma_start3A_38 = tpu.memref_slice %arg5[%dma_start3A_30, %dma_start3A_37] : memref<200x128xi32, #tpu.memory_space<vmem>> -> memref<1x128xi32, #tpu.memory_space<vmem>>
    %dma_start3A_39 = tpu.memref_squeeze %dma_start3A_38 : memref<1x128xi32, #tpu.memory_space<vmem>> -> memref<128xi32, #tpu.memory_space<vmem>>
    %dma_start3A_40 = arith.constant 0 : i32
    %dma_start3A_41 = arith.constant 0 : i32
    %dma_start3A_42 = tpu.memref_slice %arg3[%dma_start3A_40, %dma_start3A_41] : memref<100000x128xf32, #tpu.memory_space<hbm>> -> memref<100000x128xf32, #tpu.memory_space<hbm>>
    tpu.enqueue_indirect_dma source(%dma_start3A_42 : memref<100000x128xf32, #tpu.memory_space<hbm>>) target(%dma_start3A_36 : memref<128x128xf32, #tpu.memory_space<vmem>>) offsets(%dma_start3A_39 : memref<128xi32, #tpu.memory_space<vmem>>) semaphore(%arg8 : memref<!tpu.dma_semaphore, #tpu.memory_space<semaphore_mem>>)
    %dma_start3A_43 = arith.constant 3 : i32
    %dma_start3A_44 = arith.constant 1 : i32
    %dma_start3A_45 = arith.constant 1 : i32
    %dma_start3A_46 = arith.constant 0 : i32
    %dma_start3A_47 = arith.constant 0 : i32
    %dma_start3A_48 = tpu.memref_slice %arg6[%dma_start3A_44, %dma_start3A_45, %dma_start3A_46, %dma_start3A_47] : memref<3x2x128x128xf32, #tpu.memory_space<vmem>> -> memref<1x1x128x128xf32, #tpu.memory_space<vmem>>
    %dma_start3A_49 = tpu.memref_squeeze %dma_start3A_48 : memref<1x1x128x128xf32, #tpu.memory_space<vmem>> -> memref<128x128xf32, #tpu.memory_space<vmem>>
    %dma_start3A_50 = arith.constant 0 : i32
    %dma_start3A_51 = tpu.memref_slice %arg5[%dma_start3A_43, %dma_start3A_50] : memref<200x128xi32, #tpu.memory_space<vmem>> -> memref<1x128xi32, #tpu.memory_space<vmem>>
    %dma_start3A_52 = tpu.memref_squeeze %dma_start3A_51 : memref<1x128xi32, #tpu.memory_space<vmem>> -> memref<128xi32, #tpu.memory_space<vmem>>
    %dma_start3A_53 = arith.constant 0 : i32
    %dma_start3A_54 = arith.constant 0 : i32
    %dma_start3A_55 = tpu.memref_slice %arg3[%dma_start3A_53, %dma_start3A_54] : memref<100000x128xf32, #tpu.memory_space<hbm>> -> memref<100000x128xf32, #tpu.memory_space<hbm>>
    tpu.enqueue_indirect_dma source(%dma_start3A_55 : memref<100000x128xf32, #tpu.memory_space<hbm>>) target(%dma_start3A_49 : memref<128x128xf32, #tpu.memory_space<vmem>>) offsets(%dma_start3A_52 : memref<128xi32, #tpu.memory_space<vmem>>) semaphore(%arg8 : memref<!tpu.dma_semaphore, #tpu.memory_space<semaphore_mem>>)
    %dma_start3A_56 = arith.constant 4 : i32
    %dma_start3A_57 = arith.constant 2 : i32
    %dma_start3A_58 = arith.constant 0 : i32
    %dma_start3A_59 = arith.constant 0 : i32
    %dma_start3A_60 = arith.constant 0 : i32
    %dma_start3A_61 = tpu.memref_slice %arg6[%dma_start3A_57, %dma_start3A_58, %dma_start3A_59, %dma_start3A_60] : memref<3x2x128x128xf32, #tpu.memory_space<vmem>> -> memref<1x1x128x128xf32, #tpu.memory_space<vmem>>
    %dma_start3A_62 = tpu.memref_squeeze %dma_start3A_61 : memref<1x1x128x128xf32, #tpu.memory_space<vmem>> -> memref<128x128xf32, #tpu.memory_space<vmem>>
    %dma_start3A_63 = arith.constant 0 : i32
    %dma_start3A_64 = tpu.memref_slice %arg5[%dma_start3A_56, %dma_start3A_63] : memref<200x128xi32, #tpu.memory_space<vmem>> -> memref<1x128xi32, #tpu.memory_space<vmem>>
    %dma_start3A_65 = tpu.memref_squeeze %dma_start3A_64 : memref<1x128xi32, #tpu.memory_space<vmem>> -> memref<128xi32, #tpu.memory_space<vmem>>
    %dma_start3A_66 = arith.constant 0 : i32
    %dma_start3A_67 = arith.constant 0 : i32
    %dma_start3A_68 = tpu.memref_slice %arg3[%dma_start3A_66, %dma_start3A_67] : memref<100000x128xf32, #tpu.memory_space<hbm>> -> memref<100000x128xf32, #tpu.memory_space<hbm>>
    tpu.enqueue_indirect_dma source(%dma_start3A_68 : memref<100000x128xf32, #tpu.memory_space<hbm>>) target(%dma_start3A_62 : memref<128x128xf32, #tpu.memory_space<vmem>>) offsets(%dma_start3A_65 : memref<128xi32, #tpu.memory_space<vmem>>) semaphore(%arg9 : memref<!tpu.dma_semaphore, #tpu.memory_space<semaphore_mem>>)
    %dma_start3A_69 = arith.constant 5 : i32
    %dma_start3A_70 = arith.constant 2 : i32
    %dma_start3A_71 = arith.constant 1 : i32
    %dma_start3A_72 = arith.constant 0 : i32
    %dma_start3A_73 = arith.constant 0 : i32
    %dma_start3A_74 = tpu.memref_slice %arg6[%dma_start3A_70, %dma_start3A_71, %dma_start3A_72, %dma_start3A_73] : memref<3x2x128x128xf32, #tpu.memory_space<vmem>> -> memref<1x1x128x128xf32, #tpu.memory_space<vmem>>
    %dma_start3A_75 = tpu.memref_squeeze %dma_start3A_74 : memref<1x1x128x128xf32, #tpu.memory_space<vmem>> -> memref<128x128xf32, #tpu.memory_space<vmem>>
    %dma_start3A_76 = arith.constant 0 : i32
    %dma_start3A_77 = tpu.memref_slice %arg5[%dma_start3A_69, %dma_start3A_76] : memref<200x128xi32, #tpu.memory_space<vmem>> -> memref<1x128xi32, #tpu.memory_space<vmem>>
    %dma_start3A_78 = tpu.memref_squeeze %dma_start3A_77 : memref<1x128xi32, #tpu.memory_space<vmem>> -> memref<128xi32, #tpu.memory_space<vmem>>
    %dma_start3A_79 = arith.constant 0 : i32
    %dma_start3A_80 = arith.constant 0 : i32
    %dma_start3A_81 = tpu.memref_slice %arg3[%dma_start3A_79, %dma_start3A_80] : memref<100000x128xf32, #tpu.memory_space<hbm>> -> memref<100000x128xf32, #tpu.memory_space<hbm>>
    tpu.enqueue_indirect_dma source(%dma_start3A_81 : memref<100000x128xf32, #tpu.memory_space<hbm>>) target(%dma_start3A_75 : memref<128x128xf32, #tpu.memory_space<vmem>>) offsets(%dma_start3A_78 : memref<128xi32, #tpu.memory_space<vmem>>) semaphore(%arg9 : memref<!tpu.dma_semaphore, #tpu.memory_space<semaphore_mem>>)
    %scan3A = arith.constant 0 : i32
    %scan3A_82 = arith.constant 0 : i32
    %scan3A_83 = arith.constant 34 : i32
    %scan3A_84 = arith.addi %scan3A_82, %scan3A_83 : i32
    %scan3A_85 = arith.constant 1 : i32
    scf.for %scan3A_149 = %scan3A_82 to %scan3A_84 step %scan3A_85  : i32 {
      %mul3A_150 = arith.constant 3 : i32
      %mul3A_151 = arith.muli %scan3A_149, %mul3A_150 : i32
      %add3A_152 = arith.constant 0 : i32
      %add3A_153 = arith.addi %mul3A_151, %add3A_152 : i32
      %lt3A = arith.constant 100 : i32
      %lt3A_154 = arith.cmpi slt, %add3A_153, %lt3A : i32
      %convert_element_type3A = arith.extui %lt3A_154 : i1 to i32
      %cond3A = arith.constant 0 : i32
      %cond3A_155 = arith.cmpi ne, %convert_element_type3A, %cond3A : i32
      scf.if %cond3A_155 {
        %dma_wait3A_195 = arith.constant 0 : i32
        %dma_wait3A_196 = arith.constant 0 : i32
        %dma_wait3A_197 = arith.constant 0 : i32
        %dma_wait3A_198 = arith.constant 0 : i32
        %dma_wait3A_199 = tpu.memref_slice %arg6[%dma_wait3A_195, %dma_wait3A_196, %dma_wait3A_197, %dma_wait3A_198] : memref<3x2x128x128xf32, #tpu.memory_space<vmem>> -> memref<1x2x128x128xf32, #tpu.memory_space<vmem>>
        %dma_wait3A_200 = tpu.memref_squeeze %dma_wait3A_199 : memref<1x2x128x128xf32, #tpu.memory_space<vmem>> -> memref<2x128x128xf32, #tpu.memory_space<vmem>>
        %dma_wait3A_201 = arith.constant 0 : i32
        %dma_wait3A_202 = arith.constant 0 : i32
        %dma_wait3A_203 = arith.constant 0 : i32
        %dma_wait3A_204 = tpu.memref_slice %arg4[%mul3A_2, %dma_wait3A_201, %dma_wait3A_202, %dma_wait3A_203] : memref<3200x2x128x128xf32, #tpu.memory_space<hbm>> -> memref<1x2x128x128xf32, #tpu.memory_space<hbm>>
        %dma_wait3A_205 = tpu.memref_squeeze %dma_wait3A_204 : memref<1x2x128x128xf32, #tpu.memory_space<hbm>> -> memref<2x128x128xf32, #tpu.memory_space<hbm>>
        %dma_wait3A_206 = arith.constant 0 : i32
        %dma_wait3A_207 = arith.constant 0 : i32
        %dma_wait3A_208 = arith.constant 0 : i32
        %dma_wait3A_209 = tpu.memref_slice %arg6[%dma_wait3A_195, %dma_wait3A_206, %dma_wait3A_207, %dma_wait3A_208] : memref<3x2x128x128xf32, #tpu.memory_space<vmem>> -> memref<1x2x128x128xf32, #tpu.memory_space<vmem>>
        %dma_wait3A_210 = tpu.memref_squeeze %dma_wait3A_209 : memref<1x2x128x128xf32, #tpu.memory_space<vmem>> -> memref<2x128x128xf32, #tpu.memory_space<vmem>>
        %dma_wait3A_211 = arith.constant 0 : i32
        %dma_wait3A_212 = arith.constant 0 : i32
        %dma_wait3A_213 = arith.constant 0 : i32
        %dma_wait3A_214 = tpu.memref_slice %arg4[%mul3A_2, %dma_wait3A_211, %dma_wait3A_212, %dma_wait3A_213] : memref<3200x2x128x128xf32, #tpu.memory_space<hbm>> -> memref<1x2x128x128xf32, #tpu.memory_space<hbm>>
        %dma_wait3A_215 = tpu.memref_squeeze %dma_wait3A_214 : memref<1x2x128x128xf32, #tpu.memory_space<hbm>> -> memref<2x128x128xf32, #tpu.memory_space<hbm>>
        tpu.wait_dma2 semaphore(%arg7 : memref<!tpu.dma_semaphore, #tpu.memory_space<semaphore_mem>>) src(%dma_wait3A_215 : memref<2x128x128xf32, #tpu.memory_space<hbm>>) dst(%dma_wait3A_210 : memref<2x128x128xf32, #tpu.memory_space<vmem>>)
        %add3A_216 = arith.addi %mul3A_2, %add3A_153 : i32
        %dma_start3A_217 = arith.constant 0 : i32
        %dma_start3A_218 = arith.constant 0 : i32
        %dma_start3A_219 = arith.constant 0 : i32
        %dma_start3A_220 = arith.constant 0 : i32
        %dma_start3A_221 = tpu.memref_slice %arg6[%dma_start3A_217, %dma_start3A_218, %dma_start3A_219, %dma_start3A_220] : memref<3x2x128x128xf32, #tpu.memory_space<vmem>> -> memref<1x2x128x128xf32, #tpu.memory_space<vmem>>
        %dma_start3A_222 = tpu.memref_squeeze %dma_start3A_221 : memref<1x2x128x128xf32, #tpu.memory_space<vmem>> -> memref<2x128x128xf32, #tpu.memory_space<vmem>>
        %dma_start3A_223 = arith.constant 0 : i32
        %dma_start3A_224 = arith.constant 0 : i32
        %dma_start3A_225 = arith.constant 0 : i32
        %dma_start3A_226 = tpu.memref_slice %arg4[%add3A_216, %dma_start3A_223, %dma_start3A_224, %dma_start3A_225] : memref<3200x2x128x128xf32, #tpu.memory_space<hbm>> -> memref<1x2x128x128xf32, #tpu.memory_space<hbm>>
        %dma_start3A_227 = tpu.memref_squeeze %dma_start3A_226 : memref<1x2x128x128xf32, #tpu.memory_space<hbm>> -> memref<2x128x128xf32, #tpu.memory_space<hbm>>
        %dma_start3A_228 = arith.constant 0 : i32
        %dma_start3A_229 = arith.constant 0 : i32
        %dma_start3A_230 = arith.constant 0 : i32
        %dma_start3A_231 = tpu.memref_slice %arg4[%add3A_216, %dma_start3A_228, %dma_start3A_229, %dma_start3A_230] : memref<3200x2x128x128xf32, #tpu.memory_space<hbm>> -> memref<1x2x128x128xf32, #tpu.memory_space<hbm>>
        %dma_start3A_232 = tpu.memref_squeeze %dma_start3A_231 : memref<1x2x128x128xf32, #tpu.memory_space<hbm>> -> memref<2x128x128xf32, #tpu.memory_space<hbm>>
        %dma_start3A_233 = arith.constant 0 : i32
        %dma_start3A_234 = arith.constant 0 : i32
        %dma_start3A_235 = arith.constant 0 : i32
        %dma_start3A_236 = tpu.memref_slice %arg6[%dma_start3A_217, %dma_start3A_233, %dma_start3A_234, %dma_start3A_235] : memref<3x2x128x128xf32, #tpu.memory_space<vmem>> -> memref<1x2x128x128xf32, #tpu.memory_space<vmem>>
        %dma_start3A_237 = tpu.memref_squeeze %dma_start3A_236 : memref<1x2x128x128xf32, #tpu.memory_space<vmem>> -> memref<2x128x128xf32, #tpu.memory_space<vmem>>
        tpu.enqueue_dma source(%dma_start3A_237 : memref<2x128x128xf32, #tpu.memory_space<vmem>>) target(%dma_start3A_232 : memref<2x128x128xf32, #tpu.memory_space<hbm>>) target_semaphore(%arg10 : memref<!tpu.dma_semaphore, #tpu.memory_space<semaphore_mem>>)
      } else {
      }
      %add3A_156 = arith.constant 3 : i32
      %add3A_157 = arith.addi %add3A_153, %add3A_156 : i32
      %lt3A_158 = arith.constant 100 : i32
      %lt3A_159 = arith.cmpi slt, %add3A_157, %lt3A_158 : i32
      %convert_element_type3A_160 = arith.extui %lt3A_159 : i1 to i32
      %cond3A_161 = arith.constant 0 : i32
      %cond3A_162 = arith.cmpi ne, %convert_element_type3A_160, %cond3A_161 : i32
      scf.if %cond3A_162 {
        %dma_wait3A_195 = arith.constant 0 : i32
        %dma_wait3A_196 = arith.constant 0 : i32
        %dma_wait3A_197 = arith.constant 0 : i32
        %dma_wait3A_198 = arith.constant 0 : i32
        %dma_wait3A_199 = tpu.memref_slice %arg6[%dma_wait3A_195, %dma_wait3A_196, %dma_wait3A_197, %dma_wait3A_198] : memref<3x2x128x128xf32, #tpu.memory_space<vmem>> -> memref<1x2x128x128xf32, #tpu.memory_space<vmem>>
        %dma_wait3A_200 = tpu.memref_squeeze %dma_wait3A_199 : memref<1x2x128x128xf32, #tpu.memory_space<vmem>> -> memref<2x128x128xf32, #tpu.memory_space<vmem>>
        %dma_wait3A_201 = arith.constant 0 : i32
        %dma_wait3A_202 = arith.constant 0 : i32
        %dma_wait3A_203 = arith.constant 0 : i32
        %dma_wait3A_204 = tpu.memref_slice %arg4[%mul3A_2, %dma_wait3A_201, %dma_wait3A_202, %dma_wait3A_203] : memref<3200x2x128x128xf32, #tpu.memory_space<hbm>> -> memref<1x2x128x128xf32, #tpu.memory_space<hbm>>
        %dma_wait3A_205 = tpu.memref_squeeze %dma_wait3A_204 : memref<1x2x128x128xf32, #tpu.memory_space<hbm>> -> memref<2x128x128xf32, #tpu.memory_space<hbm>>
        %dma_wait3A_206 = arith.constant 0 : i32
        %dma_wait3A_207 = arith.constant 0 : i32
        %dma_wait3A_208 = arith.constant 0 : i32
        %dma_wait3A_209 = tpu.memref_slice %arg4[%mul3A_2, %dma_wait3A_206, %dma_wait3A_207, %dma_wait3A_208] : memref<3200x2x128x128xf32, #tpu.memory_space<hbm>> -> memref<1x2x128x128xf32, #tpu.memory_space<hbm>>
        %dma_wait3A_210 = tpu.memref_squeeze %dma_wait3A_209 : memref<1x2x128x128xf32, #tpu.memory_space<hbm>> -> memref<2x128x128xf32, #tpu.memory_space<hbm>>
        %dma_wait3A_211 = arith.constant 0 : i32
        %dma_wait3A_212 = arith.constant 0 : i32
        %dma_wait3A_213 = arith.constant 0 : i32
        %dma_wait3A_214 = tpu.memref_slice %arg6[%dma_wait3A_195, %dma_wait3A_211, %dma_wait3A_212, %dma_wait3A_213] : memref<3x2x128x128xf32, #tpu.memory_space<vmem>> -> memref<1x2x128x128xf32, #tpu.memory_space<vmem>>
        %dma_wait3A_215 = tpu.memref_squeeze %dma_wait3A_214 : memref<1x2x128x128xf32, #tpu.memory_space<vmem>> -> memref<2x128x128xf32, #tpu.memory_space<vmem>>
        tpu.wait_dma2 semaphore(%arg10 : memref<!tpu.dma_semaphore, #tpu.memory_space<semaphore_mem>>) src(%dma_wait3A_215 : memref<2x128x128xf32, #tpu.memory_space<vmem>>) dst(%dma_wait3A_210 : memref<2x128x128xf32, #tpu.memory_space<hbm>>)
        %mul3A_216 = arith.constant 2 : i32
        %mul3A_217 = arith.muli %add3A_157, %mul3A_216 : i32
        %add3A_218 = arith.constant 0 : i32
        %add3A_219 = arith.addi %mul3A_217, %add3A_218 : i32
        %dma_start3A_220 = arith.constant 0 : i32
        %dma_start3A_221 = arith.constant 0 : i32
        %dma_start3A_222 = arith.constant 0 : i32
        %dma_start3A_223 = arith.constant 0 : i32
        %dma_start3A_224 = tpu.memref_slice %arg6[%dma_start3A_220, %dma_start3A_221, %dma_start3A_222, %dma_start3A_223] : memref<3x2x128x128xf32, #tpu.memory_space<vmem>> -> memref<1x1x128x128xf32, #tpu.memory_space<vmem>>
        %dma_start3A_225 = tpu.memref_squeeze %dma_start3A_224 : memref<1x1x128x128xf32, #tpu.memory_space<vmem>> -> memref<128x128xf32, #tpu.memory_space<vmem>>
        %dma_start3A_226 = arith.constant 0 : i32
        %dma_start3A_227 = tpu.memref_slice %arg5[%add3A_219, %dma_start3A_226] : memref<200x128xi32, #tpu.memory_space<vmem>> -> memref<1x128xi32, #tpu.memory_space<vmem>>
        %dma_start3A_228 = tpu.memref_squeeze %dma_start3A_227 : memref<1x128xi32, #tpu.memory_space<vmem>> -> memref<128xi32, #tpu.memory_space<vmem>>
        %dma_start3A_229 = arith.constant 0 : i32
        %dma_start3A_230 = arith.constant 0 : i32
        %dma_start3A_231 = tpu.memref_slice %arg3[%dma_start3A_229, %dma_start3A_230] : memref<100000x128xf32, #tpu.memory_space<hbm>> -> memref<100000x128xf32, #tpu.memory_space<hbm>>
        tpu.enqueue_indirect_dma source(%dma_start3A_231 : memref<100000x128xf32, #tpu.memory_space<hbm>>) target(%dma_start3A_225 : memref<128x128xf32, #tpu.memory_space<vmem>>) offsets(%dma_start3A_228 : memref<128xi32, #tpu.memory_space<vmem>>) semaphore(%arg7 : memref<!tpu.dma_semaphore, #tpu.memory_space<semaphore_mem>>)
        %mul3A_232 = arith.constant 2 : i32
        %mul3A_233 = arith.muli %add3A_157, %mul3A_232 : i32
        %add3A_234 = arith.constant 1 : i32
        %add3A_235 = arith.addi %mul3A_233, %add3A_234 : i32
        %dma_start3A_236 = arith.constant 0 : i32
        %dma_start3A_237 = arith.constant 1 : i32
        %dma_start3A_238 = arith.constant 0 : i32
        %dma_start3A_239 = arith.constant 0 : i32
        %dma_start3A_240 = tpu.memref_slice %arg6[%dma_start3A_236, %dma_start3A_237, %dma_start3A_238, %dma_start3A_239] : memref<3x2x128x128xf32, #tpu.memory_space<vmem>> -> memref<1x1x128x128xf32, #tpu.memory_space<vmem>>
        %dma_start3A_241 = tpu.memref_squeeze %dma_start3A_240 : memref<1x1x128x128xf32, #tpu.memory_space<vmem>> -> memref<128x128xf32, #tpu.memory_space<vmem>>
        %dma_start3A_242 = arith.constant 0 : i32
        %dma_start3A_243 = tpu.memref_slice %arg5[%add3A_235, %dma_start3A_242] : memref<200x128xi32, #tpu.memory_space<vmem>> -> memref<1x128xi32, #tpu.memory_space<vmem>>
        %dma_start3A_244 = tpu.memref_squeeze %dma_start3A_243 : memref<1x128xi32, #tpu.memory_space<vmem>> -> memref<128xi32, #tpu.memory_space<vmem>>
        %dma_start3A_245 = arith.constant 0 : i32
        %dma_start3A_246 = arith.constant 0 : i32
        %dma_start3A_247 = tpu.memref_slice %arg3[%dma_start3A_245, %dma_start3A_246] : memref<100000x128xf32, #tpu.memory_space<hbm>> -> memref<100000x128xf32, #tpu.memory_space<hbm>>
        tpu.enqueue_indirect_dma source(%dma_start3A_247 : memref<100000x128xf32, #tpu.memory_space<hbm>>) target(%dma_start3A_241 : memref<128x128xf32, #tpu.memory_space<vmem>>) offsets(%dma_start3A_244 : memref<128xi32, #tpu.memory_space<vmem>>) semaphore(%arg7 : memref<!tpu.dma_semaphore, #tpu.memory_space<semaphore_mem>>)
      } else {
      }
      %mul3A_163 = arith.constant 3 : i32
      %mul3A_164 = arith.muli %scan3A_149, %mul3A_163 : i32
      %add3A_165 = arith.constant 1 : i32
      %add3A_166 = arith.addi %mul3A_164, %add3A_165 : i32
      %lt3A_167 = arith.constant 100 : i32
      %lt3A_168 = arith.cmpi slt, %add3A_166, %lt3A_167 : i32
      %convert_element_type3A_169 = arith.extui %lt3A_168 : i1 to i32
      %cond3A_170 = arith.constant 0 : i32
      %cond3A_171 = arith.cmpi ne, %convert_element_type3A_169, %cond3A_170 : i32
      scf.if %cond3A_171 {
        %dma_wait3A_195 = arith.constant 1 : i32
        %dma_wait3A_196 = arith.constant 0 : i32
        %dma_wait3A_197 = arith.constant 0 : i32
        %dma_wait3A_198 = arith.constant 0 : i32
        %dma_wait3A_199 = tpu.memref_slice %arg6[%dma_wait3A_195, %dma_wait3A_196, %dma_wait3A_197, %dma_wait3A_198] : memref<3x2x128x128xf32, #tpu.memory_space<vmem>> -> memref<1x2x128x128xf32, #tpu.memory_space<vmem>>
        %dma_wait3A_200 = tpu.memref_squeeze %dma_wait3A_199 : memref<1x2x128x128xf32, #tpu.memory_space<vmem>> -> memref<2x128x128xf32, #tpu.memory_space<vmem>>
        %dma_wait3A_201 = arith.constant 0 : i32
        %dma_wait3A_202 = arith.constant 0 : i32
        %dma_wait3A_203 = arith.constant 0 : i32
        %dma_wait3A_204 = tpu.memref_slice %arg4[%mul3A_2, %dma_wait3A_201, %dma_wait3A_202, %dma_wait3A_203] : memref<3200x2x128x128xf32, #tpu.memory_space<hbm>> -> memref<1x2x128x128xf32, #tpu.memory_space<hbm>>
        %dma_wait3A_205 = tpu.memref_squeeze %dma_wait3A_204 : memref<1x2x128x128xf32, #tpu.memory_space<hbm>> -> memref<2x128x128xf32, #tpu.memory_space<hbm>>
        %dma_wait3A_206 = arith.constant 0 : i32
        %dma_wait3A_207 = arith.constant 0 : i32
        %dma_wait3A_208 = arith.constant 0 : i32
        %dma_wait3A_209 = tpu.memref_slice %arg6[%dma_wait3A_195, %dma_wait3A_206, %dma_wait3A_207, %dma_wait3A_208] : memref<3x2x128x128xf32, #tpu.memory_space<vmem>> -> memref<1x2x128x128xf32, #tpu.memory_space<vmem>>
        %dma_wait3A_210 = tpu.memref_squeeze %dma_wait3A_209 : memref<1x2x128x128xf32, #tpu.memory_space<vmem>> -> memref<2x128x128xf32, #tpu.memory_space<vmem>>
        %dma_wait3A_211 = arith.constant 0 : i32
        %dma_wait3A_212 = arith.constant 0 : i32
        %dma_wait3A_213 = arith.constant 0 : i32
        %dma_wait3A_214 = tpu.memref_slice %arg4[%mul3A_2, %dma_wait3A_211, %dma_wait3A_212, %dma_wait3A_213] : memref<3200x2x128x128xf32, #tpu.memory_space<hbm>> -> memref<1x2x128x128xf32, #tpu.memory_space<hbm>>
        %dma_wait3A_215 = tpu.memref_squeeze %dma_wait3A_214 : memref<1x2x128x128xf32, #tpu.memory_space<hbm>> -> memref<2x128x128xf32, #tpu.memory_space<hbm>>
        tpu.wait_dma2 semaphore(%arg8 : memref<!tpu.dma_semaphore, #tpu.memory_space<semaphore_mem>>) src(%dma_wait3A_215 : memref<2x128x128xf32, #tpu.memory_space<hbm>>) dst(%dma_wait3A_210 : memref<2x128x128xf32, #tpu.memory_space<vmem>>)
        %add3A_216 = arith.addi %mul3A_2, %add3A_166 : i32
        %dma_start3A_217 = arith.constant 1 : i32
        %dma_start3A_218 = arith.constant 0 : i32
        %dma_start3A_219 = arith.constant 0 : i32
        %dma_start3A_220 = arith.constant 0 : i32
        %dma_start3A_221 = tpu.memref_slice %arg6[%dma_start3A_217, %dma_start3A_218, %dma_start3A_219, %dma_start3A_220] : memref<3x2x128x128xf32, #tpu.memory_space<vmem>> -> memref<1x2x128x128xf32, #tpu.memory_space<vmem>>
        %dma_start3A_222 = tpu.memref_squeeze %dma_start3A_221 : memref<1x2x128x128xf32, #tpu.memory_space<vmem>> -> memref<2x128x128xf32, #tpu.memory_space<vmem>>
        %dma_start3A_223 = arith.constant 0 : i32
        %dma_start3A_224 = arith.constant 0 : i32
        %dma_start3A_225 = arith.constant 0 : i32
        %dma_start3A_226 = tpu.memref_slice %arg4[%add3A_216, %dma_start3A_223, %dma_start3A_224, %dma_start3A_225] : memref<3200x2x128x128xf32, #tpu.memory_space<hbm>> -> memref<1x2x128x128xf32, #tpu.memory_space<hbm>>
        %dma_start3A_227 = tpu.memref_squeeze %dma_start3A_226 : memref<1x2x128x128xf32, #tpu.memory_space<hbm>> -> memref<2x128x128xf32, #tpu.memory_space<hbm>>
        %dma_start3A_228 = arith.constant 0 : i32
        %dma_start3A_229 = arith.constant 0 : i32
        %dma_start3A_230 = arith.constant 0 : i32
        %dma_start3A_231 = tpu.memref_slice %arg4[%add3A_216, %dma_start3A_228, %dma_start3A_229, %dma_start3A_230] : memref<3200x2x128x128xf32, #tpu.memory_space<hbm>> -> memref<1x2x128x128xf32, #tpu.memory_space<hbm>>
        %dma_start3A_232 = tpu.memref_squeeze %dma_start3A_231 : memref<1x2x128x128xf32, #tpu.memory_space<hbm>> -> memref<2x128x128xf32, #tpu.memory_space<hbm>>
        %dma_start3A_233 = arith.constant 0 : i32
        %dma_start3A_234 = arith.constant 0 : i32
        %dma_start3A_235 = arith.constant 0 : i32
        %dma_start3A_236 = tpu.memref_slice %arg6[%dma_start3A_217, %dma_start3A_233, %dma_start3A_234, %dma_start3A_235] : memref<3x2x128x128xf32, #tpu.memory_space<vmem>> -> memref<1x2x128x128xf32, #tpu.memory_space<vmem>>
        %dma_start3A_237 = tpu.memref_squeeze %dma_start3A_236 : memref<1x2x128x128xf32, #tpu.memory_space<vmem>> -> memref<2x128x128xf32, #tpu.memory_space<vmem>>
        tpu.enqueue_dma source(%dma_start3A_237 : memref<2x128x128xf32, #tpu.memory_space<vmem>>) target(%dma_start3A_232 : memref<2x128x128xf32, #tpu.memory_space<hbm>>) target_semaphore(%arg11 : memref<!tpu.dma_semaphore, #tpu.memory_space<semaphore_mem>>)
      } else {
      }
      %add3A_172 = arith.constant 3 : i32
      %add3A_173 = arith.addi %add3A_166, %add3A_172 : i32
      %lt3A_174 = arith.constant 100 : i32
      %lt3A_175 = arith.cmpi slt, %add3A_173, %lt3A_174 : i32
      %convert_element_type3A_176 = arith.extui %lt3A_175 : i1 to i32
      %cond3A_177 = arith.constant 0 : i32
      %cond3A_178 = arith.cmpi ne, %convert_element_type3A_176, %cond3A_177 : i32
      scf.if %cond3A_178 {
        %dma_wait3A_195 = arith.constant 1 : i32
        %dma_wait3A_196 = arith.constant 0 : i32
        %dma_wait3A_197 = arith.constant 0 : i32
        %dma_wait3A_198 = arith.constant 0 : i32
        %dma_wait3A_199 = tpu.memref_slice %arg6[%dma_wait3A_195, %dma_wait3A_196, %dma_wait3A_197, %dma_wait3A_198] : memref<3x2x128x128xf32, #tpu.memory_space<vmem>> -> memref<1x2x128x128xf32, #tpu.memory_space<vmem>>
        %dma_wait3A_200 = tpu.memref_squeeze %dma_wait3A_199 : memref<1x2x128x128xf32, #tpu.memory_space<vmem>> -> memref<2x128x128xf32, #tpu.memory_space<vmem>>
        %dma_wait3A_201 = arith.constant 0 : i32
        %dma_wait3A_202 = arith.constant 0 : i32
        %dma_wait3A_203 = arith.constant 0 : i32
        %dma_wait3A_204 = tpu.memref_slice %arg4[%mul3A_2, %dma_wait3A_201, %dma_wait3A_202, %dma_wait3A_203] : memref<3200x2x128x128xf32, #tpu.memory_space<hbm>> -> memref<1x2x128x128xf32, #tpu.memory_space<hbm>>
        %dma_wait3A_205 = tpu.memref_squeeze %dma_wait3A_204 : memref<1x2x128x128xf32, #tpu.memory_space<hbm>> -> memref<2x128x128xf32, #tpu.memory_space<hbm>>
        %dma_wait3A_206 = arith.constant 0 : i32
        %dma_wait3A_207 = arith.constant 0 : i32
        %dma_wait3A_208 = arith.constant 0 : i32
        %dma_wait3A_209 = tpu.memref_slice %arg4[%mul3A_2, %dma_wait3A_206, %dma_wait3A_207, %dma_wait3A_208] : memref<3200x2x128x128xf32, #tpu.memory_space<hbm>> -> memref<1x2x128x128xf32, #tpu.memory_space<hbm>>
        %dma_wait3A_210 = tpu.memref_squeeze %dma_wait3A_209 : memref<1x2x128x128xf32, #tpu.memory_space<hbm>> -> memref<2x128x128xf32, #tpu.memory_space<hbm>>
        %dma_wait3A_211 = arith.constant 0 : i32
        %dma_wait3A_212 = arith.constant 0 : i32
        %dma_wait3A_213 = arith.constant 0 : i32
        %dma_wait3A_214 = tpu.memref_slice %arg6[%dma_wait3A_195, %dma_wait3A_211, %dma_wait3A_212, %dma_wait3A_213] : memref<3x2x128x128xf32, #tpu.memory_space<vmem>> -> memref<1x2x128x128xf32, #tpu.memory_space<vmem>>
        %dma_wait3A_215 = tpu.memref_squeeze %dma_wait3A_214 : memref<1x2x128x128xf32, #tpu.memory_space<vmem>> -> memref<2x128x128xf32, #tpu.memory_space<vmem>>
        tpu.wait_dma2 semaphore(%arg11 : memref<!tpu.dma_semaphore, #tpu.memory_space<semaphore_mem>>) src(%dma_wait3A_215 : memref<2x128x128xf32, #tpu.memory_space<vmem>>) dst(%dma_wait3A_210 : memref<2x128x128xf32, #tpu.memory_space<hbm>>)
        %mul3A_216 = arith.constant 2 : i32
        %mul3A_217 = arith.muli %add3A_173, %mul3A_216 : i32
        %add3A_218 = arith.constant 0 : i32
        %add3A_219 = arith.addi %mul3A_217, %add3A_218 : i32
        %dma_start3A_220 = arith.constant 1 : i32
        %dma_start3A_221 = arith.constant 0 : i32
        %dma_start3A_222 = arith.constant 0 : i32
        %dma_start3A_223 = arith.constant 0 : i32
        %dma_start3A_224 = tpu.memref_slice %arg6[%dma_start3A_220, %dma_start3A_221, %dma_start3A_222, %dma_start3A_223] : memref<3x2x128x128xf32, #tpu.memory_space<vmem>> -> memref<1x1x128x128xf32, #tpu.memory_space<vmem>>
        %dma_start3A_225 = tpu.memref_squeeze %dma_start3A_224 : memref<1x1x128x128xf32, #tpu.memory_space<vmem>> -> memref<128x128xf32, #tpu.memory_space<vmem>>
        %dma_start3A_226 = arith.constant 0 : i32
        %dma_start3A_227 = tpu.memref_slice %arg5[%add3A_219, %dma_start3A_226] : memref<200x128xi32, #tpu.memory_space<vmem>> -> memref<1x128xi32, #tpu.memory_space<vmem>>
        %dma_start3A_228 = tpu.memref_squeeze %dma_start3A_227 : memref<1x128xi32, #tpu.memory_space<vmem>> -> memref<128xi32, #tpu.memory_space<vmem>>
        %dma_start3A_229 = arith.constant 0 : i32
        %dma_start3A_230 = arith.constant 0 : i32
        %dma_start3A_231 = tpu.memref_slice %arg3[%dma_start3A_229, %dma_start3A_230] : memref<100000x128xf32, #tpu.memory_space<hbm>> -> memref<100000x128xf32, #tpu.memory_space<hbm>>
        tpu.enqueue_indirect_dma source(%dma_start3A_231 : memref<100000x128xf32, #tpu.memory_space<hbm>>) target(%dma_start3A_225 : memref<128x128xf32, #tpu.memory_space<vmem>>) offsets(%dma_start3A_228 : memref<128xi32, #tpu.memory_space<vmem>>) semaphore(%arg8 : memref<!tpu.dma_semaphore, #tpu.memory_space<semaphore_mem>>)
        %mul3A_232 = arith.constant 2 : i32
        %mul3A_233 = arith.muli %add3A_173, %mul3A_232 : i32
        %add3A_234 = arith.constant 1 : i32
        %add3A_235 = arith.addi %mul3A_233, %add3A_234 : i32
        %dma_start3A_236 = arith.constant 1 : i32
        %dma_start3A_237 = arith.constant 1 : i32
        %dma_start3A_238 = arith.constant 0 : i32
        %dma_start3A_239 = arith.constant 0 : i32
        %dma_start3A_240 = tpu.memref_slice %arg6[%dma_start3A_236, %dma_start3A_237, %dma_start3A_238, %dma_start3A_239] : memref<3x2x128x128xf32, #tpu.memory_space<vmem>> -> memref<1x1x128x128xf32, #tpu.memory_space<vmem>>
        %dma_start3A_241 = tpu.memref_squeeze %dma_start3A_240 : memref<1x1x128x128xf32, #tpu.memory_space<vmem>> -> memref<128x128xf32, #tpu.memory_space<vmem>>
        %dma_start3A_242 = arith.constant 0 : i32
        %dma_start3A_243 = tpu.memref_slice %arg5[%add3A_235, %dma_start3A_242] : memref<200x128xi32, #tpu.memory_space<vmem>> -> memref<1x128xi32, #tpu.memory_space<vmem>>
        %dma_start3A_244 = tpu.memref_squeeze %dma_start3A_243 : memref<1x128xi32, #tpu.memory_space<vmem>> -> memref<128xi32, #tpu.memory_space<vmem>>
        %dma_start3A_245 = arith.constant 0 : i32
        %dma_start3A_246 = arith.constant 0 : i32
        %dma_start3A_247 = tpu.memref_slice %arg3[%dma_start3A_245, %dma_start3A_246] : memref<100000x128xf32, #tpu.memory_space<hbm>> -> memref<100000x128xf32, #tpu.memory_space<hbm>>
        tpu.enqueue_indirect_dma source(%dma_start3A_247 : memref<100000x128xf32, #tpu.memory_space<hbm>>) target(%dma_start3A_241 : memref<128x128xf32, #tpu.memory_space<vmem>>) offsets(%dma_start3A_244 : memref<128xi32, #tpu.memory_space<vmem>>) semaphore(%arg8 : memref<!tpu.dma_semaphore, #tpu.memory_space<semaphore_mem>>)
      } else {
      }
      %mul3A_179 = arith.constant 3 : i32
      %mul3A_180 = arith.muli %scan3A_149, %mul3A_179 : i32
      %add3A_181 = arith.constant 2 : i32
      %add3A_182 = arith.addi %mul3A_180, %add3A_181 : i32
      %lt3A_183 = arith.constant 100 : i32
      %lt3A_184 = arith.cmpi slt, %add3A_182, %lt3A_183 : i32
      %convert_element_type3A_185 = arith.extui %lt3A_184 : i1 to i32
      %cond3A_186 = arith.constant 0 : i32
      %cond3A_187 = arith.cmpi ne, %convert_element_type3A_185, %cond3A_186 : i32
      scf.if %cond3A_187 {
        %dma_wait3A_195 = arith.constant 2 : i32
        %dma_wait3A_196 = arith.constant 0 : i32
        %dma_wait3A_197 = arith.constant 0 : i32
        %dma_wait3A_198 = arith.constant 0 : i32
        %dma_wait3A_199 = tpu.memref_slice %arg6[%dma_wait3A_195, %dma_wait3A_196, %dma_wait3A_197, %dma_wait3A_198] : memref<3x2x128x128xf32, #tpu.memory_space<vmem>> -> memref<1x2x128x128xf32, #tpu.memory_space<vmem>>
        %dma_wait3A_200 = tpu.memref_squeeze %dma_wait3A_199 : memref<1x2x128x128xf32, #tpu.memory_space<vmem>> -> memref<2x128x128xf32, #tpu.memory_space<vmem>>
        %dma_wait3A_201 = arith.constant 0 : i32
        %dma_wait3A_202 = arith.constant 0 : i32
        %dma_wait3A_203 = arith.constant 0 : i32
        %dma_wait3A_204 = tpu.memref_slice %arg4[%mul3A_2, %dma_wait3A_201, %dma_wait3A_202, %dma_wait3A_203] : memref<3200x2x128x128xf32, #tpu.memory_space<hbm>> -> memref<1x2x128x128xf32, #tpu.memory_space<hbm>>
        %dma_wait3A_205 = tpu.memref_squeeze %dma_wait3A_204 : memref<1x2x128x128xf32, #tpu.memory_space<hbm>> -> memref<2x128x128xf32, #tpu.memory_space<hbm>>
        %dma_wait3A_206 = arith.constant 0 : i32
        %dma_wait3A_207 = arith.constant 0 : i32
        %dma_wait3A_208 = arith.constant 0 : i32
        %dma_wait3A_209 = tpu.memref_slice %arg6[%dma_wait3A_195, %dma_wait3A_206, %dma_wait3A_207, %dma_wait3A_208] : memref<3x2x128x128xf32, #tpu.memory_space<vmem>> -> memref<1x2x128x128xf32, #tpu.memory_space<vmem>>
        %dma_wait3A_210 = tpu.memref_squeeze %dma_wait3A_209 : memref<1x2x128x128xf32, #tpu.memory_space<vmem>> -> memref<2x128x128xf32, #tpu.memory_space<vmem>>
        %dma_wait3A_211 = arith.constant 0 : i32
        %dma_wait3A_212 = arith.constant 0 : i32
        %dma_wait3A_213 = arith.constant 0 : i32
        %dma_wait3A_214 = tpu.memref_slice %arg4[%mul3A_2, %dma_wait3A_211, %dma_wait3A_212, %dma_wait3A_213] : memref<3200x2x128x128xf32, #tpu.memory_space<hbm>> -> memref<1x2x128x128xf32, #tpu.memory_space<hbm>>
        %dma_wait3A_215 = tpu.memref_squeeze %dma_wait3A_214 : memref<1x2x128x128xf32, #tpu.memory_space<hbm>> -> memref<2x128x128xf32, #tpu.memory_space<hbm>>
        tpu.wait_dma2 semaphore(%arg9 : memref<!tpu.dma_semaphore, #tpu.memory_space<semaphore_mem>>) src(%dma_wait3A_215 : memref<2x128x128xf32, #tpu.memory_space<hbm>>) dst(%dma_wait3A_210 : memref<2x128x128xf32, #tpu.memory_space<vmem>>)
        %add3A_216 = arith.addi %mul3A_2, %add3A_182 : i32
        %dma_start3A_217 = arith.constant 2 : i32
        %dma_start3A_218 = arith.constant 0 : i32
        %dma_start3A_219 = arith.constant 0 : i32
        %dma_start3A_220 = arith.constant 0 : i32
        %dma_start3A_221 = tpu.memref_slice %arg6[%dma_start3A_217, %dma_start3A_218, %dma_start3A_219, %dma_start3A_220] : memref<3x2x128x128xf32, #tpu.memory_space<vmem>> -> memref<1x2x128x128xf32, #tpu.memory_space<vmem>>
        %dma_start3A_222 = tpu.memref_squeeze %dma_start3A_221 : memref<1x2x128x128xf32, #tpu.memory_space<vmem>> -> memref<2x128x128xf32, #tpu.memory_space<vmem>>
        %dma_start3A_223 = arith.constant 0 : i32
        %dma_start3A_224 = arith.constant 0 : i32
        %dma_start3A_225 = arith.constant 0 : i32
        %dma_start3A_226 = tpu.memref_slice %arg4[%add3A_216, %dma_start3A_223, %dma_start3A_224, %dma_start3A_225] : memref<3200x2x128x128xf32, #tpu.memory_space<hbm>> -> memref<1x2x128x128xf32, #tpu.memory_space<hbm>>
        %dma_start3A_227 = tpu.memref_squeeze %dma_start3A_226 : memref<1x2x128x128xf32, #tpu.memory_space<hbm>> -> memref<2x128x128xf32, #tpu.memory_space<hbm>>
        %dma_start3A_228 = arith.constant 0 : i32
        %dma_start3A_229 = arith.constant 0 : i32
        %dma_start3A_230 = arith.constant 0 : i32
        %dma_start3A_231 = tpu.memref_slice %arg4[%add3A_216, %dma_start3A_228, %dma_start3A_229, %dma_start3A_230] : memref<3200x2x128x128xf32, #tpu.memory_space<hbm>> -> memref<1x2x128x128xf32, #tpu.memory_space<hbm>>
        %dma_start3A_232 = tpu.memref_squeeze %dma_start3A_231 : memref<1x2x128x128xf32, #tpu.memory_space<hbm>> -> memref<2x128x128xf32, #tpu.memory_space<hbm>>
        %dma_start3A_233 = arith.constant 0 : i32
        %dma_start3A_234 = arith.constant 0 : i32
        %dma_start3A_235 = arith.constant 0 : i32
        %dma_start3A_236 = tpu.memref_slice %arg6[%dma_start3A_217, %dma_start3A_233, %dma_start3A_234, %dma_start3A_235] : memref<3x2x128x128xf32, #tpu.memory_space<vmem>> -> memref<1x2x128x128xf32, #tpu.memory_space<vmem>>
        %dma_start3A_237 = tpu.memref_squeeze %dma_start3A_236 : memref<1x2x128x128xf32, #tpu.memory_space<vmem>> -> memref<2x128x128xf32, #tpu.memory_space<vmem>>
        tpu.enqueue_dma source(%dma_start3A_237 : memref<2x128x128xf32, #tpu.memory_space<vmem>>) target(%dma_start3A_232 : memref<2x128x128xf32, #tpu.memory_space<hbm>>) target_semaphore(%arg12 : memref<!tpu.dma_semaphore, #tpu.memory_space<semaphore_mem>>)
      } else {
      }
      %add3A_188 = arith.constant 3 : i32
      %add3A_189 = arith.addi %add3A_182, %add3A_188 : i32
      %lt3A_190 = arith.constant 100 : i32
      %lt3A_191 = arith.cmpi slt, %add3A_189, %lt3A_190 : i32
      %convert_element_type3A_192 = arith.extui %lt3A_191 : i1 to i32
      %cond3A_193 = arith.constant 0 : i32
      %cond3A_194 = arith.cmpi ne, %convert_element_type3A_192, %cond3A_193 : i32
      scf.if %cond3A_194 {
        %dma_wait3A_195 = arith.constant 2 : i32
        %dma_wait3A_196 = arith.constant 0 : i32
        %dma_wait3A_197 = arith.constant 0 : i32
        %dma_wait3A_198 = arith.constant 0 : i32
        %dma_wait3A_199 = tpu.memref_slice %arg6[%dma_wait3A_195, %dma_wait3A_196, %dma_wait3A_197, %dma_wait3A_198] : memref<3x2x128x128xf32, #tpu.memory_space<vmem>> -> memref<1x2x128x128xf32, #tpu.memory_space<vmem>>
        %dma_wait3A_200 = tpu.memref_squeeze %dma_wait3A_199 : memref<1x2x128x128xf32, #tpu.memory_space<vmem>> -> memref<2x128x128xf32, #tpu.memory_space<vmem>>
        %dma_wait3A_201 = arith.constant 0 : i32
        %dma_wait3A_202 = arith.constant 0 : i32
        %dma_wait3A_203 = arith.constant 0 : i32
        %dma_wait3A_204 = tpu.memref_slice %arg4[%mul3A_2, %dma_wait3A_201, %dma_wait3A_202, %dma_wait3A_203] : memref<3200x2x128x128xf32, #tpu.memory_space<hbm>> -> memref<1x2x128x128xf32, #tpu.memory_space<hbm>>
        %dma_wait3A_205 = tpu.memref_squeeze %dma_wait3A_204 : memref<1x2x128x128xf32, #tpu.memory_space<hbm>> -> memref<2x128x128xf32, #tpu.memory_space<hbm>>
        %dma_wait3A_206 = arith.constant 0 : i32
        %dma_wait3A_207 = arith.constant 0 : i32
        %dma_wait3A_208 = arith.constant 0 : i32
        %dma_wait3A_209 = tpu.memref_slice %arg4[%mul3A_2, %dma_wait3A_206, %dma_wait3A_207, %dma_wait3A_208] : memref<3200x2x128x128xf32, #tpu.memory_space<hbm>> -> memref<1x2x128x128xf32, #tpu.memory_space<hbm>>
        %dma_wait3A_210 = tpu.memref_squeeze %dma_wait3A_209 : memref<1x2x128x128xf32, #tpu.memory_space<hbm>> -> memref<2x128x128xf32, #tpu.memory_space<hbm>>
        %dma_wait3A_211 = arith.constant 0 : i32
        %dma_wait3A_212 = arith.constant 0 : i32
        %dma_wait3A_213 = arith.constant 0 : i32
        %dma_wait3A_214 = tpu.memref_slice %arg6[%dma_wait3A_195, %dma_wait3A_211, %dma_wait3A_212, %dma_wait3A_213] : memref<3x2x128x128xf32, #tpu.memory_space<vmem>> -> memref<1x2x128x128xf32, #tpu.memory_space<vmem>>
        %dma_wait3A_215 = tpu.memref_squeeze %dma_wait3A_214 : memref<1x2x128x128xf32, #tpu.memory_space<vmem>> -> memref<2x128x128xf32, #tpu.memory_space<vmem>>
        tpu.wait_dma2 semaphore(%arg12 : memref<!tpu.dma_semaphore, #tpu.memory_space<semaphore_mem>>) src(%dma_wait3A_215 : memref<2x128x128xf32, #tpu.memory_space<vmem>>) dst(%dma_wait3A_210 : memref<2x128x128xf32, #tpu.memory_space<hbm>>)
        %mul3A_216 = arith.constant 2 : i32
        %mul3A_217 = arith.muli %add3A_189, %mul3A_216 : i32
        %add3A_218 = arith.constant 0 : i32
        %add3A_219 = arith.addi %mul3A_217, %add3A_218 : i32
        %dma_start3A_220 = arith.constant 2 : i32
        %dma_start3A_221 = arith.constant 0 : i32
        %dma_start3A_222 = arith.constant 0 : i32
        %dma_start3A_223 = arith.constant 0 : i32
        %dma_start3A_224 = tpu.memref_slice %arg6[%dma_start3A_220, %dma_start3A_221, %dma_start3A_222, %dma_start3A_223] : memref<3x2x128x128xf32, #tpu.memory_space<vmem>> -> memref<1x1x128x128xf32, #tpu.memory_space<vmem>>
        %dma_start3A_225 = tpu.memref_squeeze %dma_start3A_224 : memref<1x1x128x128xf32, #tpu.memory_space<vmem>> -> memref<128x128xf32, #tpu.memory_space<vmem>>
        %dma_start3A_226 = arith.constant 0 : i32
        %dma_start3A_227 = tpu.memref_slice %arg5[%add3A_219, %dma_start3A_226] : memref<200x128xi32, #tpu.memory_space<vmem>> -> memref<1x128xi32, #tpu.memory_space<vmem>>
        %dma_start3A_228 = tpu.memref_squeeze %dma_start3A_227 : memref<1x128xi32, #tpu.memory_space<vmem>> -> memref<128xi32, #tpu.memory_space<vmem>>
        %dma_start3A_229 = arith.constant 0 : i32
        %dma_start3A_230 = arith.constant 0 : i32
        %dma_start3A_231 = tpu.memref_slice %arg3[%dma_start3A_229, %dma_start3A_230] : memref<100000x128xf32, #tpu.memory_space<hbm>> -> memref<100000x128xf32, #tpu.memory_space<hbm>>
        tpu.enqueue_indirect_dma source(%dma_start3A_231 : memref<100000x128xf32, #tpu.memory_space<hbm>>) target(%dma_start3A_225 : memref<128x128xf32, #tpu.memory_space<vmem>>) offsets(%dma_start3A_228 : memref<128xi32, #tpu.memory_space<vmem>>) semaphore(%arg9 : memref<!tpu.dma_semaphore, #tpu.memory_space<semaphore_mem>>)
        %mul3A_232 = arith.constant 2 : i32
        %mul3A_233 = arith.muli %add3A_189, %mul3A_232 : i32
        %add3A_234 = arith.constant 1 : i32
        %add3A_235 = arith.addi %mul3A_233, %add3A_234 : i32
        %dma_start3A_236 = arith.constant 2 : i32
        %dma_start3A_237 = arith.constant 1 : i32
        %dma_start3A_238 = arith.constant 0 : i32
        %dma_start3A_239 = arith.constant 0 : i32
        %dma_start3A_240 = tpu.memref_slice %arg6[%dma_start3A_236, %dma_start3A_237, %dma_start3A_238, %dma_start3A_239] : memref<3x2x128x128xf32, #tpu.memory_space<vmem>> -> memref<1x1x128x128xf32, #tpu.memory_space<vmem>>
        %dma_start3A_241 = tpu.memref_squeeze %dma_start3A_240 : memref<1x1x128x128xf32, #tpu.memory_space<vmem>> -> memref<128x128xf32, #tpu.memory_space<vmem>>
        %dma_start3A_242 = arith.constant 0 : i32
        %dma_start3A_243 = tpu.memref_slice %arg5[%add3A_235, %dma_start3A_242] : memref<200x128xi32, #tpu.memory_space<vmem>> -> memref<1x128xi32, #tpu.memory_space<vmem>>
        %dma_start3A_244 = tpu.memref_squeeze %dma_start3A_243 : memref<1x128xi32, #tpu.memory_space<vmem>> -> memref<128xi32, #tpu.memory_space<vmem>>
        %dma_start3A_245 = arith.constant 0 : i32
        %dma_start3A_246 = arith.constant 0 : i32
        %dma_start3A_247 = tpu.memref_slice %arg3[%dma_start3A_245, %dma_start3A_246] : memref<100000x128xf32, #tpu.memory_space<hbm>> -> memref<100000x128xf32, #tpu.memory_space<hbm>>
        tpu.enqueue_indirect_dma source(%dma_start3A_247 : memref<100000x128xf32, #tpu.memory_space<hbm>>) target(%dma_start3A_241 : memref<128x128xf32, #tpu.memory_space<vmem>>) offsets(%dma_start3A_244 : memref<128xi32, #tpu.memory_space<vmem>>) semaphore(%arg9 : memref<!tpu.dma_semaphore, #tpu.memory_space<semaphore_mem>>)
      } else {
      }
    }
    %scan3A_86 = arith.constant 34 : i32
    %dma_wait3A = arith.constant 0 : i32
    %dma_wait3A_87 = arith.constant 0 : i32
    %dma_wait3A_88 = arith.constant 0 : i32
    %dma_wait3A_89 = arith.constant 0 : i32
    %dma_wait3A_90 = tpu.memref_slice %arg6[%dma_wait3A, %dma_wait3A_87, %dma_wait3A_88, %dma_wait3A_89] : memref<3x2x128x128xf32, #tpu.memory_space<vmem>> -> memref<1x2x128x128xf32, #tpu.memory_space<vmem>>
    %dma_wait3A_91 = tpu.memref_squeeze %dma_wait3A_90 : memref<1x2x128x128xf32, #tpu.memory_space<vmem>> -> memref<2x128x128xf32, #tpu.memory_space<vmem>>
    %dma_wait3A_92 = arith.constant 0 : i32
    %dma_wait3A_93 = arith.constant 0 : i32
    %dma_wait3A_94 = arith.constant 0 : i32
    %dma_wait3A_95 = tpu.memref_slice %arg4[%mul3A_2, %dma_wait3A_92, %dma_wait3A_93, %dma_wait3A_94] : memref<3200x2x128x128xf32, #tpu.memory_space<hbm>> -> memref<1x2x128x128xf32, #tpu.memory_space<hbm>>
    %dma_wait3A_96 = tpu.memref_squeeze %dma_wait3A_95 : memref<1x2x128x128xf32, #tpu.memory_space<hbm>> -> memref<2x128x128xf32, #tpu.memory_space<hbm>>
    %dma_wait3A_97 = arith.constant 0 : i32
    %dma_wait3A_98 = arith.constant 0 : i32
    %dma_wait3A_99 = arith.constant 0 : i32
    %dma_wait3A_100 = tpu.memref_slice %arg4[%mul3A_2, %dma_wait3A_97, %dma_wait3A_98, %dma_wait3A_99] : memref<3200x2x128x128xf32, #tpu.memory_space<hbm>> -> memref<1x2x128x128xf32, #tpu.memory_space<hbm>>
    %dma_wait3A_101 = tpu.memref_squeeze %dma_wait3A_100 : memref<1x2x128x128xf32, #tpu.memory_space<hbm>> -> memref<2x128x128xf32, #tpu.memory_space<hbm>>
    %dma_wait3A_102 = arith.constant 0 : i32
    %dma_wait3A_103 = arith.constant 0 : i32
    %dma_wait3A_104 = arith.constant 0 : i32
    %dma_wait3A_105 = tpu.memref_slice %arg6[%dma_wait3A, %dma_wait3A_102, %dma_wait3A_103, %dma_wait3A_104] : memref<3x2x128x128xf32, #tpu.memory_space<vmem>> -> memref<1x2x128x128xf32, #tpu.memory_space<vmem>>
    %dma_wait3A_106 = tpu.memref_squeeze %dma_wait3A_105 : memref<1x2x128x128xf32, #tpu.memory_space<vmem>> -> memref<2x128x128xf32, #tpu.memory_space<vmem>>
    tpu.wait_dma2 semaphore(%arg10 : memref<!tpu.dma_semaphore, #tpu.memory_space<semaphore_mem>>) src(%dma_wait3A_106 : memref<2x128x128xf32, #tpu.memory_space<vmem>>) dst(%dma_wait3A_101 : memref<2x128x128xf32, #tpu.memory_space<hbm>>)
    %dma_wait3A_107 = arith.constant 1 : i32
    %dma_wait3A_108 = arith.constant 0 : i32
    %dma_wait3A_109 = arith.constant 0 : i32
    %dma_wait3A_110 = arith.constant 0 : i32
    %dma_wait3A_111 = tpu.memref_slice %arg6[%dma_wait3A_107, %dma_wait3A_108, %dma_wait3A_109, %dma_wait3A_110] : memref<3x2x128x128xf32, #tpu.memory_space<vmem>> -> memref<1x2x128x128xf32, #tpu.memory_space<vmem>>
    %dma_wait3A_112 = tpu.memref_squeeze %dma_wait3A_111 : memref<1x2x128x128xf32, #tpu.memory_space<vmem>> -> memref<2x128x128xf32, #tpu.memory_space<vmem>>
    %dma_wait3A_113 = arith.constant 0 : i32
    %dma_wait3A_114 = arith.constant 0 : i32
    %dma_wait3A_115 = arith.constant 0 : i32
    %dma_wait3A_116 = tpu.memref_slice %arg4[%mul3A_2, %dma_wait3A_113, %dma_wait3A_114, %dma_wait3A_115] : memref<3200x2x128x128xf32, #tpu.memory_space<hbm>> -> memref<1x2x128x128xf32, #tpu.memory_space<hbm>>
    %dma_wait3A_117 = tpu.memref_squeeze %dma_wait3A_116 : memref<1x2x128x128xf32, #tpu.memory_space<hbm>> -> memref<2x128x128xf32, #tpu.memory_space<hbm>>
    %dma_wait3A_118 = arith.constant 0 : i32
    %dma_wait3A_119 = arith.constant 0 : i32
    %dma_wait3A_120 = arith.constant 0 : i32
    %dma_wait3A_121 = tpu.memref_slice %arg4[%mul3A_2, %dma_wait3A_118, %dma_wait3A_119, %dma_wait3A_120] : memref<3200x2x128x128xf32, #tpu.memory_space<hbm>> -> memref<1x2x128x128xf32, #tpu.memory_space<hbm>>
    %dma_wait3A_122 = tpu.memref_squeeze %dma_wait3A_121 : memref<1x2x128x128xf32, #tpu.memory_space<hbm>> -> memref<2x128x128xf32, #tpu.memory_space<hbm>>
    %dma_wait3A_123 = arith.constant 0 : i32
    %dma_wait3A_124 = arith.constant 0 : i32
    %dma_wait3A_125 = arith.constant 0 : i32
    %dma_wait3A_126 = tpu.memref_slice %arg6[%dma_wait3A_107, %dma_wait3A_123, %dma_wait3A_124, %dma_wait3A_125] : memref<3x2x128x128xf32, #tpu.memory_space<vmem>> -> memref<1x2x128x128xf32, #tpu.memory_space<vmem>>
    %dma_wait3A_127 = tpu.memref_squeeze %dma_wait3A_126 : memref<1x2x128x128xf32, #tpu.memory_space<vmem>> -> memref<2x128x128xf32, #tpu.memory_space<vmem>>
    tpu.wait_dma2 semaphore(%arg11 : memref<!tpu.dma_semaphore, #tpu.memory_space<semaphore_mem>>) src(%dma_wait3A_127 : memref<2x128x128xf32, #tpu.memory_space<vmem>>) dst(%dma_wait3A_122 : memref<2x128x128xf32, #tpu.memory_space<hbm>>)
    %dma_wait3A_128 = arith.constant 2 : i32
    %dma_wait3A_129 = arith.constant 0 : i32
    %dma_wait3A_130 = arith.constant 0 : i32
    %dma_wait3A_131 = arith.constant 0 : i32
    %dma_wait3A_132 = tpu.memref_slice %arg6[%dma_wait3A_128, %dma_wait3A_129, %dma_wait3A_130, %dma_wait3A_131] : memref<3x2x128x128xf32, #tpu.memory_space<vmem>> -> memref<1x2x128x128xf32, #tpu.memory_space<vmem>>
    %dma_wait3A_133 = tpu.memref_squeeze %dma_wait3A_132 : memref<1x2x128x128xf32, #tpu.memory_space<vmem>> -> memref<2x128x128xf32, #tpu.memory_space<vmem>>
    %dma_wait3A_134 = arith.constant 0 : i32
    %dma_wait3A_135 = arith.constant 0 : i32
    %dma_wait3A_136 = arith.constant 0 : i32
    %dma_wait3A_137 = tpu.memref_slice %arg4[%mul3A_2, %dma_wait3A_134, %dma_wait3A_135, %dma_wait3A_136] : memref<3200x2x128x128xf32, #tpu.memory_space<hbm>> -> memref<1x2x128x128xf32, #tpu.memory_space<hbm>>
    %dma_wait3A_138 = tpu.memref_squeeze %dma_wait3A_137 : memref<1x2x128x128xf32, #tpu.memory_space<hbm>> -> memref<2x128x128xf32, #tpu.memory_space<hbm>>
    %dma_wait3A_139 = arith.constant 0 : i32
    %dma_wait3A_140 = arith.constant 0 : i32
    %dma_wait3A_141 = arith.constant 0 : i32
    %dma_wait3A_142 = tpu.memref_slice %arg4[%mul3A_2, %dma_wait3A_139, %dma_wait3A_140, %dma_wait3A_141] : memref<3200x2x128x128xf32, #tpu.memory_space<hbm>> -> memref<1x2x128x128xf32, #tpu.memory_space<hbm>>
    %dma_wait3A_143 = tpu.memref_squeeze %dma_wait3A_142 : memref<1x2x128x128xf32, #tpu.memory_space<hbm>> -> memref<2x128x128xf32, #tpu.memory_space<hbm>>
    %dma_wait3A_144 = arith.constant 0 : i32
    %dma_wait3A_145 = arith.constant 0 : i32
    %dma_wait3A_146 = arith.constant 0 : i32
    %dma_wait3A_147 = tpu.memref_slice %arg6[%dma_wait3A_128, %dma_wait3A_144, %dma_wait3A_145, %dma_wait3A_146] : memref<3x2x128x128xf32, #tpu.memory_space<vmem>> -> memref<1x2x128x128xf32, #tpu.memory_space<vmem>>
    %dma_wait3A_148 = tpu.memref_squeeze %dma_wait3A_147 : memref<1x2x128x128xf32, #tpu.memory_space<vmem>> -> memref<2x128x128xf32, #tpu.memory_space<vmem>>
    tpu.wait_dma2 semaphore(%arg12 : memref<!tpu.dma_semaphore, #tpu.memory_space<semaphore_mem>>) src(%dma_wait3A_148 : memref<2x128x128xf32, #tpu.memory_space<vmem>>) dst(%dma_wait3A_143 : memref<2x128x128xf32, #tpu.memory_space<hbm>>)
    return
  }
}

</mosaic_0001>

<sc_bundles>
// kernel: kernel.3.cloned.1.call-start
scs
__scs_entry_jumppad:
0x0: {  	(pc) =	sbr.rel $0x88, $3  }
0x1: {  	(tag) =	ssettag $0x0;
	lr =	simm.s32 $0x1  }
0x2: {  	[smem:$0x3F9F] =	sst lr;
	_ =	strace $0xD0000000  }
0x3: {  	_ = 	snop  }
0x4: {  	_ = 	snop  }
0x5: {  	_ = 	snop  }
0x6: {  	_ = 	snop  }
0x7: {  	_ = 	snop  }
__scs_overlays_trampoline_lowered:
0x8: {  	[smem:$0x3FAE] =	sst s0  }
0x9: {  	[smem:$0x3FAF] =	sst s1  }
0xa: {  	[smem:$0x3FB0] =	sst s2  }
0xb: {  	[smem:$0x3FB1] =	sst s3  }
0xc: {  	[smem:$0x3FB2] =	sst s4  }
0xd: {  	[smem:$0x3FB3] =	sst s5  }
0xe: {  	[smem:$0x3FB4] =	sst s6  }
0xf: {  	[smem:$0x3FB5] =	sst s7  }
0x10: {  	[smem:$0x3FB6] =	sst s8  }
0x11: {  	[smem:$0x3FB7] =	sst s9;
	s0 =	simm.s32 @!p0 $0x0  }
0x12: {  	s1 =	sld [smem:$0x3F9D];
	s0 =	simm.s32 @p0 $0x1  }
0x13: {  	[smem:$0x3FB8] =	sst s0;
	s0 =	simm.s32 @!p1 $0x0  }
0x14: {  	s2 =	sld [smem:$0x3F9C];
	s0 =	simm.s32 @p1 $0x1  }
0x15: {  	[smem:$0x3FB9] =	sst s0;
	s0 =	simm.s32 @!p2 $0x0  }
0x16: {  	s3 =	sld [smem:$0x3FDB];
	s0 =	simm.s32 @p2 $0x1  }
0x17: {  	s4 =	simm.s32 $0x1BF5;
	[smem:$0x3FBB] =	sst s0  }
0x18: {  	s0 =	sld [smem:$0x3F9E];
	_ =	swait.ge [sflag:s4], $0x0  }
0x19: {  	s7 =	sld [smem:$0x3F9F]  }
0x1a: {  	s8 =	sadd.s32 $0xFFFFE003, lr  }
0x1b: {  	s9 =	sadd.s32 $0xFFFFFEF7, lr;
	s5 =	simm.s32 $0xFFFFFFFF;
	p2 =	slt.u32 s8, $0xFFFFF086  }
0x1c: {  	p1 =	slt.u32 s9, $0xF7A;
	s5 =	simm.s32 @!p2 $0x0  }
0x1d: {  	s5 =	simm.s32 @p1 $0x1;
	p0 =	seq.s32 s7, s2  }
0x1e: {  	s7 =	smul.u32 @!p0 $0xF7A, s2;
	p2 =	seq.s32 @!p0 s5, $0x0  }
0x1f: {  	s9 =	smul.u32 $0xF7A, s1;
	s8 =	simm.s32 @!p0 $0x1BF5;
	p2 =	por !p2, p0  }
0x20: {  	[sflag:s8] =	ssyncset.s32 @!p0 $0xFFFFF086;
	s6 =	sadd.s32 @!p0 s3, s7;
	s7 =	simm.s32 @!p0 $0x108  }
0x21: {  	s3 =	sadd.s32 s3, s9;
	s6 =	sadd.s32 @!p0 $0x88, s6;
	s7 =	simm.s32 @p2 $0x1082  }
0x22: {  	[simem:s7], [sflag:s8] =	dma.local @!p0 [hbm:s6], $0xF7A  }
0x23: {  	s9 =	sor.u32 $0xD0000000, s2;
	s6 =	simm.s32 $0x108;
	_ =	swait.ge @!p0 [sflag:s8], $0x0  }
0x24: {  	s3 =	sadd.s32 $0x88, s3;
	s6 =	simm.s32 @!p1 $0x1082;
	[sflag:s4] =	ssyncset.s32 $0xFFFFF086  }
0x25: {  	[simem:s6], [sflag:s4] =	dma.local [hbm:s3], $0xF7A  }
0x26: {  	[smem:$0x3F9F] =	sst s1;
	(tag) =	ssettag s2;
	_ =	strace s9  }
0x27: {  	s1 =	sld [smem:$0x3FAF]  }
0x28: {  	s2 =	sld [smem:$0x3FB0]  }
0x29: {  	s4 =	sld [smem:$0x3FB2]  }
0x2a: {  	p0 =	seq.s32 s5, $0x0;
	s5 =	sld [smem:$0x3FB3]  }
0x2b: {  	s6 =	sld [smem:$0x3FB4]  }
0x2c: {  	s7 =	sld [smem:$0x3FB5]  }
0x2d: {  	s3 =	simm.s32 $0x108;
	s8 =	sld [smem:$0x3FB6]  }
0x2e: {  	s3 =	simm.s32 @!p0 $0x1082;
	s9 =	sld [smem:$0x3FB7]  }
0x2f: {  	lr =	sadd.s32 s0, s3;
	s0 =	sld [smem:$0x3FAE]  }
0x30: {  	s3 =	sld [smem:$0x3FB1]  }
0x31: {  	[smem:$0x3FBA] =	sst s10  }
0x32: {  	s10 =	sld [smem:$0x3FB8];
	_ =	sdelay $0x3  }
0x33: {  	p0 =	seq.s32 s10, $0x1;
	s10 =	sld [smem:$0x3FBA];
	_ =	sdelay $0x3  }
0x34: {  	[smem:$0x3FBA] =	sst s10  }
0x35: {  	s10 =	sld [smem:$0x3FB9];
	_ =	sdelay $0x3  }
0x36: {  	p1 =	seq.s32 s10, $0x1;
	s10 =	sld [smem:$0x3FBA];
	_ =	sdelay $0x3  }
0x37: {  	[smem:$0x3FBA] =	sst s10  }
0x38: {  	s10 =	sld [smem:$0x3FBB]  }
0x39: {  	_ = 	snop;
	(pc) =	sbr.ind lr, $3  }
0x3a: {  	_ = 	snop  }
0x3b: {  	_ = 	snop  }
0x3c: {  	p2 =	seq.s32 s10, $0x1;
	s10 =	sld [smem:$0x3FBA]  }
0x3d: {  	_ =	shalt  }
0x3e: {  	_ =	shalt  }
0x3f: {  	_ =	shalt  }
0x40: {  	_ =	shalt  }
0x41: {  	_ =	shalt  }
0x42: {  	_ =	shalt  }
0x43: {  	_ =	shalt  }
0x44: {  	_ =	shalt  }
0x45: {  	_ =	shalt  }
0x46: {  	_ =	shalt  }
0x47: {  	_ =	shalt  }
0x48: {  	_ =	shalt  }
0x49: {  	_ =	shalt  }
0x4a: {  	_ =	shalt  }
0x4b: {  	_ =	shalt  }
0x4c: {  	_ =	shalt  }
0x4d: {  	_ =	shalt  }
0x4e: {  	_ =	shalt  }
0x4f: {  	_ =	shalt  }
0x50: {  	_ =	shalt  }
0x51: {  	_ =	shalt  }
0x52: {  	_ =	shalt  }
0x53: {  	_ =	shalt  }
0x54: {  	_ =	shalt  }
0x55: {  	_ =	shalt  }
0x56: {  	_ =	shalt  }
0x57: {  	_ =	shalt  }
0x58: {  	_ =	shalt  }
0x59: {  	_ =	shalt  }
0x5a: {  	_ =	shalt  }
0x5b: {  	_ =	shalt  }
0x5c: {  	_ =	shalt  }
0x5d: {  	_ =	shalt  }
0x5e: {  	_ =	shalt  }
0x5f: {  	_ =	shalt  }
0x60: {  	_ =	shalt  }
0x61: {  	_ =	shalt  }
0x62: {  	_ =	shalt  }
0x63: {  	_ =	shalt  }
0x64: {  	_ =	shalt  }
0x65: {  	_ =	shalt  }
0x66: {  	_ =	shalt  }
0x67: {  	_ =	shalt  }
0x68: {  	_ =	shalt  }
0x69: {  	_ =	shalt  }
0x6a: {  	_ =	shalt  }
0x6b: {  	_ =	shalt  }
0x6c: {  	_ =	shalt  }
0x6d: {  	_ =	shalt  }
0x6e: {  	_ =	shalt  }
0x6f: {  	_ =	shalt  }
0x70: {  	_ =	shalt  }
0x71: {  	_ =	shalt  }
0x72: {  	_ =	shalt  }
0x73: {  	_ =	shalt  }
0x74: {  	_ =	shalt  }
0x75: {  	_ =	shalt  }
0x76: {  	_ =	shalt  }
0x77: {  	_ =	shalt  }
0x78: {  	_ =	shalt  }
0x79: {  	_ =	shalt  }
0x7a: {  	_ =	shalt  }
0x7b: {  	_ =	shalt  }
0x7c: {  	_ =	shalt  }
0x7d: {  	_ =	shalt  }
0x7e: {  	_ =	shalt  }
0x7f: {  	_ =	shalt  }
0x80: {  	_ =	shalt  }
0x81: {  	_ =	shalt  }
0x82: {  	_ =	shalt  }
0x83: {  	_ =	shalt  }
0x84: {  	_ =	shalt  }
0x85: {  	_ =	shalt  }
0x86: {  	_ =	shalt  }
0x87: {  	_ =	shalt  }
.Lfunc_end0:
.L_simem_size_0:
called_computation_lowered:
.L_overlay_start_0:
0x88: {  	s2 =	sld [smem:$0x3FD9]  }
0x89: {  	s3 =	sld [smem:$0x3FFE];
	_ =	sdelay $0x1  }
0x8a: {  	s1 =	srdreg.scid  }
0x8b: {  	s0 =	sand.u32 $0x1, s1  }
0x8c: {  	s17 =	sshll.u32 s0, $0xA;
	s2 =	sadd.s32 s3, s2  }
0x8d: {  	s2 =	sadd.s32 s2, s17  }
0x8e: {  	[smem:$0x3FC6] =	sst s2  }
0x8f: {  	_ = 	snop  }
0x90: {  	s2 =	sld [smem:$0x3FC8]  }
0x91: {  	s18 =	sld [smem:$0x3FD0];
	(tm) =	ssettm $0x1  }
0x92: {  	s4 =	sld [smem:$0x3FFB];
	_ =	sdelay $0x3  }
0x93: {  	_ =	strace s4  }
0x94: {  	s4 =	sld [smem:$0x3FFC];
	_ =	sdelay $0x3  }
0x95: {  	_ =	strace s4  }
0x96: {  	s4 =	sld [smem:$0x3FFD];
	_ =	sdelay $0x3  }
0x97: {  	_ =	strace s4  }
0x98: {  	_ =	strace $0x8FFFFFFF  }
0x99: {  	s19 =	sld [smem:$0x3FDB];
	_ =	sdelay $0x1  }
0x9a: {  	s5 =	simm.s32 $_scs_section_size  }
0x9b: {  	s6 =	simm.s32 $_size__tile_overlayer_lowered;
	s7 =	simm.s32 $_tile_overlayer_lowered  }
0x9c: {  	s22 =	simm.s32 $0x1BFF;
	s21 =	sshll.u32 s7, $0x1;
	s4 =	sadd.s32 s5, s19  }
0x9d: {  	s8 =	simm.s32 $0x0;
	s20 =	sshll.u32 s6, $0x1;
	s6 =	sadd.s32 s21, s4  }
0x9e: {  	[timem:s8], [sflag:s22] =	dma.local [hbm:s6], s20  }
0x9f: {  	_ =	swait.ge [sflag:s22], s20  }
0xa0: {  	s5 =	ssub.s32 $0x0, s20;
	[sflag:s22] =	ssyncset.done $0x0  }
0xa1: {  	[sflag:s22] =	ssyncadd.s32 s5;
	_ =	sdelay $0x1  }
0xa2: {  	s23 =	simm.s32 $0x1B8B  }
0xa3: {  	_ =	swait.ge [sflag:s23], $0x1  }
0xa4: {  	[sflag:s23] =	ssyncset.done $0x0  }
0xa5: {  	s25 =	simm.s32 $0x1B8E;
	s24 =	sld [smem:$0x3FFE];
	[sflag:s23] =	ssyncadd.s32 $0xFFFFFFFF  }
0xa6: {  	s26 =	simm.s32 $execute0_lowered;
	[smem:$0x3FD2] =	sst s25  }
0xa7: {  	s6 =	sshll.u32 s26, $0x1;
	_ =	strace $0x80000046;
	[dreg:$0x1] =	wrdreg $0xFFFFFFFF  }
0xa8: {  	s28 =	simm.s32 $_size_execute0_lowered;
	s4 =	sadd.s32 s4, s6;
	[dreg:$0x0] =	wrdreg $0x0  }
0xa9: {  	s6 =	sshll.u32 s28, $0x1;
	[dreg:$0x2] =	wrdreg s4  }
0xaa: {  	[dreg:$0x3] =	wrdreg s6  }
0xab: {  	[dreg:$0x4] =	wrdreg $0xC0  }
0xac: {  	_ =	task [dreg:s8], $0x5FFFF  }
0xad: {  	[dreg:$0x1] =	wrdreg $0xFFFFFFFF  }
0xae: {  	[dreg:$0x0] =	wrdreg $0x60  }
0xaf: {  	[dreg:$0x2] =	wrdreg s24  }
0xb0: {  	[dreg:$0x3] =	wrdreg s2  }
0xb1: {  	[dreg:$0x4] =	wrdreg s18  }
0xb2: {  	[dreg:$0x5] =	wrdreg $0x9  }
0xb3: {  	_ =	task.clear_ibuf [dreg:s8], $0x6FFFF;
	_ =	strace $0x90000046  }
0xb4: {  	s29 =	simm.s32 $0x9;
	_ =	strace $0x80000048  }
0xb5: {  	_ =	swait.ge [sflag:s29], $0x1  }
0xb6: {  	[sflag:s29] =	ssyncadd.s32 $0xFFFFFFFF  }
0xb7: {  	_ =	strace $0x90000048  }
0xb8: {  	_ =	sfence  }
0xb9: {  	s30 =	sld [smem:$0x0];
	_ =	sdelay $0x2  }
0xba: {  	s31 =	sshll.u32 s1, $0xD;
	s1 =	sshrl.u32 s1, $0x2  }
0xbb: {  	s3 =	sand.u32 $0x4000, s31;
	s1 =	sadd.s32 s1, s30  }
0xbc: {  	s0 =	sor.u32 s3, s0;
	s1 =	sshll.u32 s1, $0x11  }
0xbd: {  	s0 =	sor.u32 s1, s0  }
0xbe: {  	s0 =	sadd.s32 $0x8F2B, s0  }
0xbf: {  	[sflag:s0] =	ssyncadd.remote.s32 $0x1  }
0xc0: {  	_ =	sfence.sel $0xFFFF  }
0xc1: {  	[dreg:$0x0] =	wrdreg $0xFFFFFFFF;
	(pc) =	sbr.abs _section_cstart, $3  }
0xc2: {  	[dreg:$0x1] =	wrdreg $0xFFFFFFFF  }
0xc3: {  	_ =	task.clear_ibuf [dreg:s8], $0x2FFFF;
	_ =	strace $0x9FFFFFFF  }
0xc4: {  	(tm) =	ssettm $0x7FFFFFFF  }
0xc5: {  	_ =	shalt  }
tec
execute0_lowered:
.L_overlay_start_1:
0x0: {  	(tag) =	ssettag $0x1  }
0x1: {  	s0 =	rddreg [dreg:$0x0]  }
0x2: {  	s2 =	rddreg [dreg:$0x1];
	s1 =	srdreg.scid  }
0x3: {  	s12 =	stileid.u32;
	s10 =	rddreg [dreg:$0x2]  }
0x4: {  	s3 =	simm.s32 $0x0;
	s13 =	simm.s32 $0x80;
	s14 =	simm.s32 $0x6400  }
0x5: {  	s15 =	simm.s32 $0xA400;
	s17 =	simm.s32 $0xE400;
	s19 =	simm.s32 $0x12400  }
0x6: {  	s21 =	simm.s32 $0x16400;
	s22 =	simm.s32 $0x280;
	s23 =	simm.s32 $0x1A400  }
0x7: {  	s28 =	simm.s32 $0x5;
	s29 =	simm.s32 $0x3;
	s8 =	smul.u32 $0xC8, s12  }
0x8: {  	s30 =	simm.s32 $0x6;
	s1 =	sand.u32 $0x1, s1;
	s26 =	smul.u32 $0xC8000, s12  }
0x9: {  	s31 =	simm.s32 $0x0;
	s4 =	sshll.u32 s12, $0x1;
	s11 =	smul.u32 $0x64, s1  }
0xa: {  	s4 =	sor.u32 s1, s4;
	s6 =	ssub.s32 $0x2, s1;
	s1 =	smul.u32 $0x64000, s1  }
0xb: {  	[smem:$0x7FF] =	sst s3;
	s12 =	simm.s32 $0x7;
	s5 =	smul.u32 $0xC80, s4  }
0xc: {  	_ =	strace $0x80000047;
	s4 =	smul.u32 $0x64000, s4;
	s24 =	sshrl.u32 s6, $0x1  }
0xd: {  	s25 =	sadd.s32 s11, s8;
	s11 =	sadd.s32 s26, s10;
	s26 =	simm.s32 $0x2  }
0xe: {  	s0 =	sadd.s32 s5, s0;
	s5 =	ssub.s32 s6, s24;
	s9 =	sadd.s32 s10, s4  }
0xf: {  	s11 =	sadd.s32 s1, s11;
	s24 =	simm.s32 $0x1;
	s4 =	sadd.s32 $0x400, s0  }
0x10: {  	s5 =	smax.u32 s5, $0x1;
	s6 =	sadd.s32 $0x63000, s9;
	s0 =	sshll.u32 s25, $0xC  }
0x11: {  	s7 =	sadd.s32 $0x60000, s9;
	s8 =	sadd.s32 $0x61000, s9;
	s0 =	sadd.s32 s0, s10  }
0x12: {  	s9 =	sadd.s32 $0x62000, s9;
	s25 =	simm.s32 $0x4;
	s10 =	sadd.s32 $0x2000, s0  }
.LBB2_1:
0x13: {  	[tilespmem:s3], [sflag:$0x7] =	stream.linear.gather [hbm4b:s4+s3], $0x6400, $0x38;
	[tilespmem:$0x1E400] =	vst v63  }
0x14: {  	_ =	swait.ge [sflag:s12], $0x6400  }
0x15: {  	[sflag:s12] =	ssyncset.done $0x0  }
0x16: {  	[sflag:s12] =	ssyncadd.s32 $0xFFFF9C00  }
0x17: {  	[tilespmem:s14], [sflag:$0x1] =	stream.indirect.gather [hbm4b:s2+s13], $0x80, s3, s13, $0xb8;
	[tilespmem:$0x1E400] =	vst v63  }
0x18: {  	_ = 	snop  }
0x19: {  	[tilespmem:s15], [sflag:$0x1] =	stream.indirect.gather [hbm4b:s2+s13], $0x80, s13, s13, $0xb8;
	[tilespmem:$0x1E400] =	vst v63  }
0x1a: {  	s0 =	simm.s32 $0x100  }
0x1b: {  	[tilespmem:s17], [sflag:$0x2] =	stream.indirect.gather [hbm4b:s2+s13], $0x80, s0, s13, $0xb8;
	[tilespmem:$0x1E400] =	vst v63  }
0x1c: {  	s1 =	simm.s32 $0x180  }
0x1d: {  	[tilespmem:s19], [sflag:$0x2] =	stream.indirect.gather [hbm4b:s2+s13], $0x80, s1, s13, $0xb8;
	[tilespmem:$0x1E400] =	vst v63  }
0x1e: {  	s16 =	simm.s32 $0x200  }
0x1f: {  	[tilespmem:s21], [sflag:$0x3] =	stream.indirect.gather [hbm4b:s2+s13], $0x80, s16, s13, $0xb8;
	[tilespmem:$0x1E400] =	vst v63  }
0x20: {  	_ = 	snop  }
0x21: {  	[tilespmem:s23], [sflag:$0x3] =	stream.indirect.gather [hbm4b:s2+s13], $0x80, s22, s13, $0xb8;
	[tilespmem:$0x1E400] =	vst v63  }
0x22: {  	_ =	swait.ge [sflag:s24], $0x8000  }
0x23: {  	[sflag:s24] =	ssyncset.done $0x0  }
0x24: {  	[sflag:s24] =	ssyncadd.s32 $0xFFFF8000  }
0x25: {  	[hbm4b:s11+s3] =	stream.linear.scatter [tilespmem:s14], [sflag:$0x4], $0x8000, $0x38;
	[tilespmem:$0x1E400] =	vst v63  }
0x26: {  	_ =	swait.ge [sflag:s25], $0x8000  }
0x27: {  	[sflag:s25] =	ssyncset.done $0x0  }
0x28: {  	s18 =	simm.s32 $0x300;
	[sflag:s25] =	ssyncadd.s32 $0xFFFF8000  }
0x29: {  	[tilespmem:s14], [sflag:$0x1] =	stream.indirect.gather [hbm4b:s2+s13], $0x80, s18, s13, $0xb8;
	[tilespmem:$0x1E400] =	vst v63  }
0x2a: {  	s20 =	simm.s32 $0x380  }
0x2b: {  	[tilespmem:s15], [sflag:$0x1] =	stream.indirect.gather [hbm4b:s2+s13], $0x80, s20, s13, $0xb8;
	[tilespmem:$0x1E400] =	vst v63  }
0x2c: {  	_ =	swait.ge [sflag:s26], $0x8000  }
0x2d: {  	[sflag:s26] =	ssyncset.done $0x0  }
0x2e: {  	s1 =	sadd.s32 $0xFFFFF000, s10;
	[sflag:s26] =	ssyncadd.s32 $0xFFFF8000  }
0x2f: {  	[hbm4b:s1+s3] =	stream.linear.scatter [tilespmem:s17], [sflag:$0x5], $0x8000, $0x38;
	[tilespmem:$0x1E400] =	vst v63  }
0x30: {  	_ =	swait.ge [sflag:s28], $0x8000  }
0x31: {  	[sflag:s28] =	ssyncset.done $0x0  }
0x32: {  	s16 =	simm.s32 $0x400;
	[sflag:s28] =	ssyncadd.s32 $0xFFFF8000  }
0x33: {  	[tilespmem:s17], [sflag:$0x2] =	stream.indirect.gather [hbm4b:s2+s13], $0x80, s16, s13, $0xb8;
	[tilespmem:$0x1E400] =	vst v63  }
0x34: {  	s18 =	simm.s32 $0x480  }
0x35: {  	[tilespmem:s19], [sflag:$0x2] =	stream.indirect.gather [hbm4b:s2+s13], $0x80, s18, s13, $0xb8;
	[tilespmem:$0x1E400] =	vst v63  }
0x36: {  	_ =	swait.ge [sflag:s29], $0x8000  }
0x37: {  	[sflag:s29] =	ssyncset.done $0x0  }
0x38: {  	[sflag:s29] =	ssyncadd.s32 $0xFFFF8000  }
0x39: {  	[hbm4b:s10+s3] =	stream.linear.scatter [tilespmem:s21], [sflag:$0x6], $0x8000, $0x38;
	[tilespmem:$0x1E400] =	vst v63  }
0x3a: {  	s0 =	sadd.s32 $0x3000, s10;
	_ =	swait.ge [sflag:s30], $0x8000  }
0x3b: {  	s20 =	simm.s32 $0x500;
	s1 =	simm.s32 $0xC00;
	[sflag:s30] =	ssyncset.done $0x0  }
0x3c: {  	s16 =	sadd.s32 $0x3000, s11;
	s18 =	simm.s32 $0x580;
	[sflag:s30] =	ssyncadd.s32 $0xFFFF8000  }
0x3d: {  	[tilespmem:s21], [sflag:$0x3] =	stream.indirect.gather [hbm4b:s2+s13], $0x80, s20, s13, $0xb8;
	[tilespmem:$0x1E400] =	vst v63  }
.LBB2_2:
0x3e: {  	[tilespmem:s23], [sflag:$0x3] =	stream.indirect.gather [hbm4b:s2+s13], $0x80, s18, s13, $0xb8;
	[tilespmem:$0x1E400] =	vst v63  }
0x3f: {  	s18 =	smov.u32 s1;
	s1 =	sadd.s32 $0xC00, s1;
	_ =	swait.ge [sflag:s24], $0x8000  }
0x40: {  	p0 =	sne.s32 s1, $0x18000;
	[sflag:s24] =	ssyncset.done $0x0  }
0x41: {  	[sflag:s24] =	ssyncadd.s32 $0xFFFF8000  }
0x42: {  	[hbm4b:s16+s3] =	stream.linear.scatter [tilespmem:s14], [sflag:$0x4], $0x8000, $0x38;
	[tilespmem:$0x1E400] =	vst v63  }
0x43: {  	_ =	swait.ge [sflag:s25], $0x8000  }
0x44: {  	s18 =	sshra.s32 s18, $0x2;
	[sflag:s25] =	ssyncset.done $0x0  }
0x45: {  	s20 =	sadd.s32 $0x300, s18;
	[sflag:s25] =	ssyncadd.s32 $0xFFFF8000  }
0x46: {  	[tilespmem:s14], [sflag:$0x1] =	stream.indirect.gather [hbm4b:s2+s13], $0x80, s20, s13, $0xb8;
	[tilespmem:$0x1E400] =	vst v63  }
0x47: {  	s20 =	sadd.s32 $0x380, s18  }
0x48: {  	[tilespmem:s15], [sflag:$0x1] =	stream.indirect.gather [hbm4b:s2+s13], $0x80, s20, s13, $0xb8;
	[tilespmem:$0x1E400] =	vst v63  }
0x49: {  	_ =	swait.ge [sflag:s26], $0x8000  }
0x4a: {  	[sflag:s26] =	ssyncset.done $0x0  }
0x4b: {  	s20 =	sadd.s32 $0xFFFFF000, s0;
	[sflag:s26] =	ssyncadd.s32 $0xFFFF8000  }
0x4c: {  	[hbm4b:s20+s3] =	stream.linear.scatter [tilespmem:s17], [sflag:$0x5], $0x8000, $0x38;
	[tilespmem:$0x1E400] =	vst v63  }
0x4d: {  	_ =	swait.ge [sflag:s28], $0x8000  }
0x4e: {  	[sflag:s28] =	ssyncset.done $0x0  }
0x4f: {  	s20 =	sadd.s32 $0x400, s18;
	[sflag:s28] =	ssyncadd.s32 $0xFFFF8000  }
0x50: {  	[tilespmem:s17], [sflag:$0x2] =	stream.indirect.gather [hbm4b:s2+s13], $0x80, s20, s13, $0xb8;
	[tilespmem:$0x1E400] =	vst v63  }
0x51: {  	s20 =	sadd.s32 $0x480, s18  }
0x52: {  	[tilespmem:s19], [sflag:$0x2] =	stream.indirect.gather [hbm4b:s2+s13], $0x80, s20, s13, $0xb8;
	[tilespmem:$0x1E400] =	vst v63  }
0x53: {  	_ =	swait.ge [sflag:s29], $0x8000  }
0x54: {  	[sflag:s29] =	ssyncset.done $0x0  }
0x55: {  	[sflag:s29] =	ssyncadd.s32 $0xFFFF8000  }
0x56: {  	[hbm4b:s0+s3] =	stream.linear.scatter [tilespmem:s21], [sflag:$0x6], $0x8000, $0x38;
	[tilespmem:$0x1E400] =	vst v63  }
.Ltmp0:
0x57: {  	_ =	swait.ge [sflag:s30], $0x8000;
	(pc) =	sbr.rel @p0 .LBB2_2-.Ltmp0, $4  }
0x58: {  	[sflag:s30] =	ssyncset.done $0x0  }
0x59: {  	s20 =	sadd.s32 $0x500, s18;
	[sflag:s30] =	ssyncadd.s32 $0xFFFF8000  }
0x5a: {  	[tilespmem:s21], [sflag:$0x3] =	stream.indirect.gather [hbm4b:s2+s13], $0x80, s20, s13, $0xb8;
	[tilespmem:$0x1E400] =	vst v63  }
0x5b: {  	s16 =	sadd.s32 $0x3000, s16;
	s18 =	sadd.s32 $0x580, s18;
	s0 =	sadd.s32 $0x3000, s0  }
0x5c: {  	[tilespmem:s23], [sflag:$0x3] =	stream.indirect.gather [hbm4b:s2+s13], $0x80, s18, s13, $0xb8;
	[tilespmem:$0x1E400] =	vst v63  }
0x5d: {  	_ =	swait.ge [sflag:s24], $0x8000  }
0x5e: {  	[sflag:s24] =	ssyncset.done $0x0  }
0x5f: {  	[sflag:s24] =	ssyncadd.s32 $0xFFFF8000  }
0x60: {  	[hbm4b:s7+s3] =	stream.linear.scatter [tilespmem:s14], [sflag:$0x4], $0x8000, $0x38;
	[tilespmem:$0x1E400] =	vst v63  }
0x61: {  	_ =	swait.ge [sflag:s25], $0x8000  }
0x62: {  	s0 =	sshra.s32 s1, $0x2;
	[sflag:s25] =	ssyncset.done $0x0  }
0x63: {  	s1 =	sadd.s32 $0x300, s0;
	[sflag:s25] =	ssyncadd.s32 $0xFFFF8000  }
0x64: {  	[tilespmem:s14], [sflag:$0x1] =	stream.indirect.gather [hbm4b:s2+s13], $0x80, s1, s13, $0xb8;
	[tilespmem:$0x1E400] =	vst v63  }
0x65: {  	s0 =	sadd.s32 $0x380, s0  }
0x66: {  	[tilespmem:s15], [sflag:$0x1] =	stream.indirect.gather [hbm4b:s2+s13], $0x80, s0, s13, $0xb8;
	[tilespmem:$0x1E400] =	vst v63  }
0x67: {  	_ =	swait.ge [sflag:s26], $0x8000  }
0x68: {  	[sflag:s26] =	ssyncset.done $0x0  }
0x69: {  	[sflag:s26] =	ssyncadd.s32 $0xFFFF8000  }
0x6a: {  	[hbm4b:s8+s3] =	stream.linear.scatter [tilespmem:s17], [sflag:$0x5], $0x8000, $0x38;
	[tilespmem:$0x1E400] =	vst v63  }
0x6b: {  	_ =	swait.ge [sflag:s29], $0x8000  }
0x6c: {  	[sflag:s29] =	ssyncset.done $0x0  }
0x6d: {  	[sflag:s29] =	ssyncadd.s32 $0xFFFF8000  }
0x6e: {  	[hbm4b:s9+s3] =	stream.linear.scatter [tilespmem:s21], [sflag:$0x6], $0x8000, $0x38;
	[tilespmem:$0x1E400] =	vst v63  }
0x6f: {  	_ =	swait.ge [sflag:s24], $0x8000  }
0x70: {  	[sflag:s24] =	ssyncset.done $0x0  }
0x71: {  	[sflag:s24] =	ssyncadd.s32 $0xFFFF8000  }
0x72: {  	[hbm4b:s6+s3] =	stream.linear.scatter [tilespmem:s14], [sflag:$0x4], $0x8000, $0x38;
	[tilespmem:$0x1E400] =	vst v63  }
0x73: {  	_ =	swait.ge [sflag:s25], $0x8000  }
0x74: {  	[sflag:s25] =	ssyncset.done $0x0  }
0x75: {  	s31 =	sadd.s32 $0x1, s31;
	[sflag:s25] =	ssyncadd.s32 $0xFFFF8000  }
0x76: {  	p0 =	sne.s32 s31, s5;
	_ =	swait.ge [sflag:s28], $0x8000  }
.Ltmp1:
0x77: {  	[sflag:s28] =	ssyncset.done $0x0;
	(pc) =	sbr.rel @p0 .LBB2_1-.Ltmp1, $4  }
0x78: {  	[sflag:s28] =	ssyncadd.s32 $0xFFFF8000  }
0x79: {  	_ =	swait.ge [sflag:s30], $0x8000  }
0x7a: {  	[sflag:s30] =	ssyncset.done $0x0  }
0x7b: {  	[sflag:s30] =	ssyncadd.s32 $0xFFFF8000  }
0x7c: {  	_ =	sfence.sel $0x180000  }
0x7d: {  	[bflag:$0x0] =	sbarrier.arrive $0xFFFF  }
0x7e: {  	_ =	strace $0x90000047  }
0x7f: {  	s0 =	stileid.u32;
	[bflag:$0x2] =	sbarrier.arrive $0xFFFF  }
0x80: {  	p0 =	sne.s32 s0, $0x0;
	s0 =	rddreg [dreg:$0x3]  }
0x81: {  	s0 =	sadd.s32 @!p0 $0x100000, s0  }
0x82: {  	[sflag:s0] =	ssyncadd.tile.s32 @!p0 $0x1;
	_ =	shalt  }
.Lfunc_end2:
_tile_overlayer_lowered:
.L_overlay_start_2:
0x83: {  	(tag) =	ssettag $0x2  }
0x84: {  	s0 =	rddreg [dreg:$0x0];
	s2 =	stileid.u32  }
0x85: {  	s1 =	rddreg [dreg:$0x1];
	p0 =	sne.s32 s2, $0x0  }
0x86: {  	s3 =	rddreg [dreg:$0x2];
	[bflag:$0x3] =	sbarrier.arrive $0xFFFF;
	s2 =	simm.s32 @!p0 $0x1C07  }
0x87: {  	[timem:s3], [sflag:s2] =	dma.local @!p0 [hbm:s0], s1  }
0x88: {  	s0 =	simm.s32 @!p0 $0x7  }
0x89: {  	_ =	swait.ge @!p0 [sflag:s0], s1  }
0x8a: {  	s1 =	ssub.s32 @!p0 $0x0, s1;
	[sflag:s0] =	ssyncset.done @!p0 $0x0  }
0x8b: {  	[sflag:s0] =	ssyncadd.s32 @!p0 s1  }
0x8c: {  	[bflag:$0x3] =	sbarrier.arrive $0xFFFF  }
0x8d: {  	_ =	shalt  }

</sc_bundles>
